<compile_context>
chip_gen: v7x
topology: tpu7x:2x2x1
jax: 0.10.2.dev20260603
libtpu: 0.0.44.dev20260713+nightly
codegen_flags: <defaults>
</compile_context>

<pallas_src>
import functools

import jax
import jax.numpy as jnp
from jax import lax
from jax.experimental import pallas as pl
from jax.experimental.pallas import tpu as pltpu
from jax.experimental.pallas import tpu_sc as plsc

B = 16384
D = 32
N_ROWS = 1000000
PACK = 4
W = D * PACK
PROWS = N_ROWS // PACK
NC = 2
NS = 16
NW = NC * NS
BPW = B // NW
CHUNK = 128
NCH = BPW // CHUNK
NBUF = 3


RL = 8192
RIN = PACK * RL
RGRID = (N_ROWS + RIN - 1) // RIN


def _repack_tc(t_ref, out_ref):
    out_ref[...] = jnp.concatenate(
        [jnp.transpose(t_ref[:, k * RL:(k + 1) * RL]) for k in range(PACK)],
        axis=1)


def _repack(table_t):
    return pl.pallas_call(
        _repack_tc,
        grid=(RGRID,),
        in_specs=[pl.BlockSpec((D, RIN), lambda i: (0, i))],
        out_specs=pl.BlockSpec((RL, W), lambda i: (i, 0)),
        out_shape=jax.ShapeDtypeStruct((RGRID * RL, W), jnp.float32),
    )(table_t)



_sc_mesh = plsc.VectorSubcoreMesh(core_axis_name="c", subcore_axis_name="s")

_out_row = jax.ShapeDtypeStruct((B, W), jnp.float32)
PROWS_PAD = ((N_ROWS + PACK * RL - 1) // (PACK * RL)) * RL


@functools.partial(
    pl.kernel,
    mesh=_sc_mesh,
    out_type=(_out_row, _out_row, _out_row, _out_row),
    scratch_types=(
        pltpu.VMEM((NCH, CHUNK), jnp.int32),
        pltpu.VMEM((NCH, CHUNK), jnp.int32),
        pltpu.VMEM((NBUF, CHUNK, W), jnp.float32),
        pltpu.SemaphoreType.DMA((NBUF,)),
        pltpu.SemaphoreType.DMA((NBUF,)),
    ),
)
def _gather_sc(uidx_hbm, iidx_hbm, mfu_hbm, mfi_hbm, mlu_hbm, mli_hbm,
               out_mfu, out_mfi, out_mlu, out_mli,
               uidx_v, iidx_v, bufs, sem_in, sem_out):
    wid = lax.axis_index("s") * NC + lax.axis_index("c")
    row0 = wid * NCH
    base = wid * BPW
    pltpu.sync_copy(uidx_hbm.at[pl.ds(row0, NCH)], uidx_v)
    pltpu.sync_copy(iidx_hbm.at[pl.ds(row0, NCH)], iidx_v)

    plan = []
    for tbl, out, idx in (
        (mfu_hbm, out_mfu, uidx_v),
        (mfi_hbm, out_mfi, iidx_v),
        (mlu_hbm, out_mlu, uidx_v),
        (mli_hbm, out_mli, iidx_v),
    ):
        for c in range(NCH):
            plan.append((tbl, out, idx, c))

    n = len(plan)
    in_descs = [None] * n
    out_descs = [None] * n

    def fire_in(r):
        tbl, _, idx, c = plan[r]
        in_descs[r] = pltpu.async_copy(tbl.at[idx.at[c]], bufs.at[r % NBUF],
                                       sem_in.at[r % NBUF])

    fire_in(0)
    for r in range(n):
        if r + 1 < n:
            if r + 1 >= NBUF:
                out_descs[r + 1 - NBUF].wait()
            fire_in(r + 1)
        in_descs[r].wait()
        _, out, _, c = plan[r]
        out_descs[r] = pltpu.async_copy(
            bufs.at[r % NBUF], out.at[pl.ds(base + c * CHUNK, CHUNK)],
            sem_out.at[r % NBUF])
    for r in range(n - NBUF + 1, n):
        out_descs[r].wait()



BB = 2048


def _extract(buf, sel):
    acc = jnp.where(sel == 0, buf[:, 0:D], 0.0)
    for k in range(1, PACK):
        acc = acc + jnp.where(sel == k, buf[:, k * D:(k + 1) * D], 0.0)
    return acc


def _dense_tc(selu_ref, seli_ref, mfu_ref, mfi_ref, mlu_ref, mli_ref,
              w1u_ref, w1i_ref, b1_ref, w2t_ref, b2_ref,
              wpm_ref, wph_ref, bp_ref, out_ref):
    su = selu_ref[...]
    si = seli_ref[...]
    dot = functools.partial(jnp.dot, preferred_element_type=jnp.float32,
                            precision=lax.Precision.HIGHEST)
    mfu = _extract(mfu_ref[...], su)
    mfi = _extract(mfi_ref[...], si)
    mlu = _extract(mlu_ref[...], su)
    mli = _extract(mli_ref[...], si)
    h1 = dot(mlu, w1u_ref[...]) + dot(mli, w1i_ref[...])
    h1 = jnp.maximum(h1 + b1_ref[...], 0.0)
    h2 = jnp.maximum(dot(h1, w2t_ref[...]) + b2_ref[...], 0.0)
    mf = mfu * mfi
    acc = jnp.sum(mf * wpm_ref[...], axis=1) + jnp.sum(h2 * wph_ref[...], axis=1)
    out_ref[...] = acc + bp_ref[0, 0]


def kernel(user_idx, item_idx, mf_user_w, mf_item_w, mlp_user_w, mlp_item_w,
           W1, b1, W2, b2, Wp, bp):
    ui = user_idx.astype(jnp.int32)
    ii = item_idx.astype(jnp.int32)
    uidx4 = (((ui >> 15) << 13) + (ui & (RL - 1))).reshape(B // CHUNK, CHUNK)
    iidx4 = (((ii >> 15) << 13) + (ii & (RL - 1))).reshape(B // CHUNK, CHUNK)
    selu = ((ui >> 13) & 3).reshape(B, 1)
    seli = ((ii >> 13) & 3).reshape(B, 1)

    mfu_p = _repack(mf_user_w.T)
    mfi_p = _repack(mf_item_w.T)
    mlu_p = _repack(mlp_user_w.T)
    mli_p = _repack(mlp_item_w.T)

    mfu, mfi, mlu, mli = _gather_sc(uidx4, iidx4, mfu_p, mfi_p, mlu_p, mli_p)

    w1u = W1[:, :D].T
    w1i = W1[:, D:].T
    w2t = W2.T
    b1r = b1.reshape(1, -1)
    b2r = b2.reshape(1, -1)
    wpm = Wp[:, :D]
    wph = Wp[:, D:]
    bpr = bp.reshape(1, 1)

    grid = B // BB
    full = lambda i: (0, 0)
    row = lambda i: (i, 0)
    out = pl.pallas_call(
        _dense_tc,
        grid=(grid,),
        in_specs=[
            pl.BlockSpec((BB, 1), row),
            pl.BlockSpec((BB, 1), row),
            pl.BlockSpec((BB, W), row),
            pl.BlockSpec((BB, W), row),
            pl.BlockSpec((BB, W), row),
            pl.BlockSpec((BB, W), row),
            pl.BlockSpec((D, 32), full),
            pl.BlockSpec((D, 32), full),
            pl.BlockSpec((1, 32), full),
            pl.BlockSpec((D, 16), full),
            pl.BlockSpec((1, 16), full),
            pl.BlockSpec((1, D), full),
            pl.BlockSpec((1, 16), full),
            pl.BlockSpec((1, 1), full),
        ],
        out_specs=pl.BlockSpec((BB,), lambda i: (i,)),
        out_shape=jax.ShapeDtypeStruct((B,), jnp.float32),
    )(selu, seli, mfu, mfi, mlu, mli, w1u, w1i, b1r, w2t, b2r, wpm, wph, bpr)
    return out

# --- scband reference (transcript-rebuilt; emitter-appended) ---
"""Pipeline reference for scband-neu-mfnet-37933151158579 (READ-ONLY COPY).

The authoritative reference and input builder live on the scoring server;
editing this copy changes nothing except your own understanding.
"""

import jax, jax.numpy as jnp
import numpy as np

N_USERS = 1000000
N_ITEMS = 1000000
MF_DIM = 32
MLP_LAYERS = (64, 32, 16)
BATCH = 16384


def _xavier(key, out_dim, in_dim):
    lim = float(np.sqrt(6.0 / (in_dim + out_dim)))
    return jax.random.uniform(key, (out_dim, in_dim), minval=-lim, maxval=lim, dtype=jnp.float32)


def setup_inputs(seed: int = 0) -> dict:
    key = jax.random.key(seed)
    ks = jax.random.split(key, 12)
    mlp_dim = MLP_LAYERS[0] // 2
    inp = {}
    inp["user_idx"] = jax.random.randint(ks[0], (BATCH,), 0, N_USERS, dtype=jnp.int64 if jax.config.jax_enable_x64 else jnp.int32)
    inp["item_idx"] = jax.random.randint(ks[1], (BATCH,), 0, N_ITEMS, dtype=jnp.int64 if jax.config.jax_enable_x64 else jnp.int32)
    inp["mf_user_w"] = jax.random.normal(ks[2], (N_USERS, MF_DIM), dtype=jnp.float32) * 0.01
    inp["mf_item_w"] = jax.random.normal(ks[3], (N_ITEMS, MF_DIM), dtype=jnp.float32) * 0.01
    inp["mlp_user_w"] = jax.random.normal(ks[4], (N_USERS, mlp_dim), dtype=jnp.float32) * 0.01
    inp["mlp_item_w"] = jax.random.normal(ks[5], (N_ITEMS, mlp_dim), dtype=jnp.float32) * 0.01
    inp["W1"] = _xavier(ks[6], MLP_LAYERS[1], MLP_LAYERS[0])
    inp["b1"] = jnp.zeros((MLP_LAYERS[1],), dtype=jnp.float32)
    inp["W2"] = _xavier(ks[7], MLP_LAYERS[2], MLP_LAYERS[1])
    inp["b2"] = jnp.zeros((MLP_LAYERS[2],), dtype=jnp.float32)
    inp["Wp"] = _xavier(ks[8], 1, MF_DIM + MLP_LAYERS[-1])
    inp["bp"] = jnp.zeros((1,), dtype=jnp.float32)
    return inp


def reference(user_idx, item_idx, mf_user_w, mf_item_w, mlp_user_w, mlp_item_w, W1, b1, W2, b2, Wp, bp):
    # GMF branch: elementwise product of MF embeddings
    mf_out = jnp.take(mf_user_w, user_idx, axis=0) * jnp.take(mf_item_w, item_idx, axis=0)
    # MLP branch: concat of MLP embeddings through Linear+ReLU stack
    mlp_in = jnp.concatenate([jnp.take(mlp_user_w, user_idx, axis=0), jnp.take(mlp_item_w, item_idx, axis=0)], axis=-1)
    h = jax.nn.relu(mlp_in @ W1.T + b1)
    h = jax.nn.relu(h @ W2.T + b2)
    # final prediction head
    out = jnp.concatenate([mf_out, h], axis=-1) @ Wp.T + bp
    return jnp.squeeze(out, axis=-1)

if __name__ == "__main__":
    import jax
    _d = setup_inputs()
    print(jax.jit(kernel)(*tuple(_d.values())))

</pallas_src>

<mosaic_0001>
#map = affine_map<(d0, d1) -> (0, 0)>
module attributes {stable_mosaic.version = 14 : i64} {
  func.func @_gather_sc(%arg0: i32, %arg1: i32, %arg2: memref<128x128xi32, #tpu.memory_space<hbm>>, %arg3: memref<128x128xi32, #tpu.memory_space<hbm>>, %arg4: memref<253952x128xf32, #tpu.memory_space<hbm>>, %arg5: memref<253952x128xf32, #tpu.memory_space<hbm>>, %arg6: memref<253952x128xf32, #tpu.memory_space<hbm>>, %arg7: memref<253952x128xf32, #tpu.memory_space<hbm>>, %arg8: memref<16384x128xf32, #tpu.memory_space<hbm>>, %arg9: memref<16384x128xf32, #tpu.memory_space<hbm>>, %arg10: memref<16384x128xf32, #tpu.memory_space<hbm>>, %arg11: memref<16384x128xf32, #tpu.memory_space<hbm>>, %arg12: memref<4x128xi32, #tpu.memory_space<vmem>>, %arg13: memref<4x128xi32, #tpu.memory_space<vmem>>, %arg14: memref<3x128x128xf32, #tpu.memory_space<vmem>>, %arg15: memref<3x!tpu.dma_semaphore, #tpu.memory_space<semaphore_mem>>, %arg16: memref<3x!tpu.dma_semaphore, #tpu.memory_space<semaphore_mem>>) attributes {dimension_semantics = [#tpu.dimension_semantics<core_parallel>, #tpu.dimension_semantics<subcore_parallel>], iteration_bounds = array<i64: 2, 16>, scalar_prefetch = 0 : i64, scratch_operands = 5 : i64, tpu.core_type = #tpu.core_type<sc_vector_subcore>, window_params = [{transform_indices = #map}, {transform_indices = #map}, {transform_indices = #map}, {transform_indices = #map}, {transform_indices = #map}, {transform_indices = #map}, {transform_indices = #map}, {transform_indices = #map}, {transform_indices = #map}, {transform_indices = #map}]} {
    %mul3A = arith.constant 2 : i32
    %mul3A_0 = arith.muli %arg1, %mul3A : i32
    %add3A = arith.addi %mul3A_0, %arg0 : i32
    %mul3A_1 = arith.constant 4 : i32
    %mul3A_2 = arith.muli %add3A, %mul3A_1 : i32
    %mul3A_3 = arith.constant 512 : i32
    %mul3A_4 = arith.muli %add3A, %mul3A_3 : i32
    "tpu.region"() ({
      %run_scoped3A = tpu.sem_alloc : memref<!tpu.dma_semaphore, #tpu.memory_space<semaphore_mem>>
      %dma_start3A_1011 = arith.constant 0 : i32
      %dma_start3A_1012 = tpu.memref_slice %arg2[%mul3A_2, %dma_start3A_1011] : memref<128x128xi32, #tpu.memory_space<hbm>> -> memref<4x128xi32, #tpu.memory_space<hbm>>
      %dma_start3A_1013 = arith.constant 0 : i32
      %dma_start3A_1014 = tpu.memref_slice %arg2[%mul3A_2, %dma_start3A_1013] : memref<128x128xi32, #tpu.memory_space<hbm>> -> memref<4x128xi32, #tpu.memory_space<hbm>>
      tpu.enqueue_dma source(%dma_start3A_1014 : memref<4x128xi32, #tpu.memory_space<hbm>>) target(%arg12 : memref<4x128xi32, #tpu.memory_space<vmem>>) target_semaphore(%run_scoped3A : memref<!tpu.dma_semaphore, #tpu.memory_space<semaphore_mem>>)
      %dma_wait3A_1015 = arith.constant 0 : i32
      %dma_wait3A_1016 = tpu.memref_slice %arg2[%mul3A_2, %dma_wait3A_1015] : memref<128x128xi32, #tpu.memory_space<hbm>> -> memref<4x128xi32, #tpu.memory_space<hbm>>
      %dma_wait3A_1017 = arith.constant 0 : i32
      %dma_wait3A_1018 = tpu.memref_slice %arg2[%mul3A_2, %dma_wait3A_1017] : memref<128x128xi32, #tpu.memory_space<hbm>> -> memref<4x128xi32, #tpu.memory_space<hbm>>
      tpu.wait_dma2 semaphore(%run_scoped3A : memref<!tpu.dma_semaphore, #tpu.memory_space<semaphore_mem>>) src(%dma_wait3A_1018 : memref<4x128xi32, #tpu.memory_space<hbm>>) dst(%arg12 : memref<4x128xi32, #tpu.memory_space<vmem>>)
      tpu.yield
    }) : () -> ()
    "tpu.region"() ({
      %run_scoped3A = tpu.sem_alloc : memref<!tpu.dma_semaphore, #tpu.memory_space<semaphore_mem>>
      %dma_start3A_1011 = arith.constant 0 : i32
      %dma_start3A_1012 = tpu.memref_slice %arg3[%mul3A_2, %dma_start3A_1011] : memref<128x128xi32, #tpu.memory_space<hbm>> -> memref<4x128xi32, #tpu.memory_space<hbm>>
      %dma_start3A_1013 = arith.constant 0 : i32
      %dma_start3A_1014 = tpu.memref_slice %arg3[%mul3A_2, %dma_start3A_1013] : memref<128x128xi32, #tpu.memory_space<hbm>> -> memref<4x128xi32, #tpu.memory_space<hbm>>
      tpu.enqueue_dma source(%dma_start3A_1014 : memref<4x128xi32, #tpu.memory_space<hbm>>) target(%arg13 : memref<4x128xi32, #tpu.memory_space<vmem>>) target_semaphore(%run_scoped3A : memref<!tpu.dma_semaphore, #tpu.memory_space<semaphore_mem>>)
      %dma_wait3A_1015 = arith.constant 0 : i32
      %dma_wait3A_1016 = tpu.memref_slice %arg3[%mul3A_2, %dma_wait3A_1015] : memref<128x128xi32, #tpu.memory_space<hbm>> -> memref<4x128xi32, #tpu.memory_space<hbm>>
      %dma_wait3A_1017 = arith.constant 0 : i32
      %dma_wait3A_1018 = tpu.memref_slice %arg3[%mul3A_2, %dma_wait3A_1017] : memref<128x128xi32, #tpu.memory_space<hbm>> -> memref<4x128xi32, #tpu.memory_space<hbm>>
      tpu.wait_dma2 semaphore(%run_scoped3A : memref<!tpu.dma_semaphore, #tpu.memory_space<semaphore_mem>>) src(%dma_wait3A_1018 : memref<4x128xi32, #tpu.memory_space<hbm>>) dst(%arg13 : memref<4x128xi32, #tpu.memory_space<vmem>>)
      tpu.yield
    }) : () -> ()
    %dma_start3A = arith.constant 0 : i32
    %dma_start3A_5 = arith.constant 0 : i32
    %dma_start3A_6 = arith.constant 0 : i32
    %dma_start3A_7 = arith.constant 0 : i32
    %dma_start3A_8 = arith.constant 0 : i32
    %dma_start3A_9 = tpu.memref_slice %arg14[%dma_start3A_5, %dma_start3A_7, %dma_start3A_8] : memref<3x128x128xf32, #tpu.memory_space<vmem>> -> memref<1x128x128xf32, #tpu.memory_space<vmem>>
    %dma_start3A_10 = tpu.memref_squeeze %dma_start3A_9 : memref<1x128x128xf32, #tpu.memory_space<vmem>> -> memref<128x128xf32, #tpu.memory_space<vmem>>
    %dma_start3A_11 = arith.constant 0 : i32
    %dma_start3A_12 = tpu.memref_slice %arg12[%dma_start3A, %dma_start3A_11] : memref<4x128xi32, #tpu.memory_space<vmem>> -> memref<1x128xi32, #tpu.memory_space<vmem>>
    %dma_start3A_13 = tpu.memref_squeeze %dma_start3A_12 : memref<1x128xi32, #tpu.memory_space<vmem>> -> memref<128xi32, #tpu.memory_space<vmem>>
    %dma_start3A_14 = arith.constant 0 : i32
    %dma_start3A_15 = arith.constant 0 : i32
    %dma_start3A_16 = tpu.memref_slice %arg4[%dma_start3A_14, %dma_start3A_15] : memref<253952x128xf32, #tpu.memory_space<hbm>> -> memref<253952x128xf32, #tpu.memory_space<hbm>>
    %dma_start3A_17 = tpu.memref_slice %arg15[%dma_start3A_6] : memref<3x!tpu.dma_semaphore, #tpu.memory_space<semaphore_mem>> -> memref<1x!tpu.dma_semaphore, #tpu.memory_space<semaphore_mem>>
    %dma_start3A_18 = tpu.memref_squeeze %dma_start3A_17 : memref<1x!tpu.dma_semaphore, #tpu.memory_space<semaphore_mem>> -> memref<!tpu.dma_semaphore, #tpu.memory_space<semaphore_mem>>
    tpu.enqueue_indirect_dma source(%dma_start3A_16 : memref<253952x128xf32, #tpu.memory_space<hbm>>) target(%dma_start3A_10 : memref<128x128xf32, #tpu.memory_space<vmem>>) offsets(%dma_start3A_13 : memref<128xi32, #tpu.memory_space<vmem>>) semaphore(%dma_start3A_18 : memref<!tpu.dma_semaphore, #tpu.memory_space<semaphore_mem>>)
    %dma_start3A_19 = arith.constant 1 : i32
    %dma_start3A_20 = arith.constant 1 : i32
    %dma_start3A_21 = arith.constant 1 : i32
    %dma_start3A_22 = arith.constant 0 : i32
    %dma_start3A_23 = arith.constant 0 : i32
    %dma_start3A_24 = tpu.memref_slice %arg14[%dma_start3A_20, %dma_start3A_22, %dma_start3A_23] : memref<3x128x128xf32, #tpu.memory_space<vmem>> -> memref<1x128x128xf32, #tpu.memory_space<vmem>>
    %dma_start3A_25 = tpu.memref_squeeze %dma_start3A_24 : memref<1x128x128xf32, #tpu.memory_space<vmem>> -> memref<128x128xf32, #tpu.memory_space<vmem>>
    %dma_start3A_26 = arith.constant 0 : i32
    %dma_start3A_27 = tpu.memref_slice %arg12[%dma_start3A_19, %dma_start3A_26] : memref<4x128xi32, #tpu.memory_space<vmem>> -> memref<1x128xi32, #tpu.memory_space<vmem>>
    %dma_start3A_28 = tpu.memref_squeeze %dma_start3A_27 : memref<1x128xi32, #tpu.memory_space<vmem>> -> memref<128xi32, #tpu.memory_space<vmem>>
    %dma_start3A_29 = arith.constant 0 : i32
    %dma_start3A_30 = arith.constant 0 : i32
    %dma_start3A_31 = tpu.memref_slice %arg4[%dma_start3A_29, %dma_start3A_30] : memref<253952x128xf32, #tpu.memory_space<hbm>> -> memref<253952x128xf32, #tpu.memory_space<hbm>>
    %dma_start3A_32 = tpu.memref_slice %arg15[%dma_start3A_21] : memref<3x!tpu.dma_semaphore, #tpu.memory_space<semaphore_mem>> -> memref<1x!tpu.dma_semaphore, #tpu.memory_space<semaphore_mem>>
    %dma_start3A_33 = tpu.memref_squeeze %dma_start3A_32 : memref<1x!tpu.dma_semaphore, #tpu.memory_space<semaphore_mem>> -> memref<!tpu.dma_semaphore, #tpu.memory_space<semaphore_mem>>
    tpu.enqueue_indirect_dma source(%dma_start3A_31 : memref<253952x128xf32, #tpu.memory_space<hbm>>) target(%dma_start3A_25 : memref<128x128xf32, #tpu.memory_space<vmem>>) offsets(%dma_start3A_28 : memref<128xi32, #tpu.memory_space<vmem>>) semaphore(%dma_start3A_33 : memref<!tpu.dma_semaphore, #tpu.memory_space<semaphore_mem>>)
    %dma_wait3A = arith.constant 0 : i32
    %dma_wait3A_34 = arith.constant 0 : i32
    %dma_wait3A_35 = arith.constant 0 : i32
    %dma_wait3A_36 = arith.constant 0 : i32
    %dma_wait3A_37 = arith.constant 0 : i32
    %dma_wait3A_38 = tpu.memref_slice %arg14[%dma_wait3A_34, %dma_wait3A_36, %dma_wait3A_37] : memref<3x128x128xf32, #tpu.memory_space<vmem>> -> memref<1x128x128xf32, #tpu.memory_space<vmem>>
    %dma_wait3A_39 = tpu.memref_squeeze %dma_wait3A_38 : memref<1x128x128xf32, #tpu.memory_space<vmem>> -> memref<128x128xf32, #tpu.memory_space<vmem>>
    %dma_wait3A_40 = arith.constant 0 : i32
    %dma_wait3A_41 = tpu.memref_slice %arg12[%dma_wait3A, %dma_wait3A_40] : memref<4x128xi32, #tpu.memory_space<vmem>> -> memref<1x128xi32, #tpu.memory_space<vmem>>
    %dma_wait3A_42 = tpu.memref_squeeze %dma_wait3A_41 : memref<1x128xi32, #tpu.memory_space<vmem>> -> memref<128xi32, #tpu.memory_space<vmem>>
    %dma_wait3A_43 = arith.constant 0 : i32
    %dma_wait3A_44 = arith.constant 0 : i32
    %dma_wait3A_45 = tpu.memref_slice %arg4[%dma_wait3A_43, %dma_wait3A_44] : memref<253952x128xf32, #tpu.memory_space<hbm>> -> memref<253952x128xf32, #tpu.memory_space<hbm>>
    %dma_wait3A_46 = tpu.memref_slice %arg15[%dma_wait3A_35] : memref<3x!tpu.dma_semaphore, #tpu.memory_space<semaphore_mem>> -> memref<1x!tpu.dma_semaphore, #tpu.memory_space<semaphore_mem>>
    %dma_wait3A_47 = tpu.memref_squeeze %dma_wait3A_46 : memref<1x!tpu.dma_semaphore, #tpu.memory_space<semaphore_mem>> -> memref<!tpu.dma_semaphore, #tpu.memory_space<semaphore_mem>>
    tpu.wait_indirect_dma semaphore(%dma_wait3A_47 : memref<!tpu.dma_semaphore, #tpu.memory_space<semaphore_mem>>) src(%dma_wait3A_45 : memref<253952x128xf32, #tpu.memory_space<hbm>>) dst(%dma_wait3A_39 : memref<128x128xf32, #tpu.memory_space<vmem>>)
    %add3A_48 = arith.constant 0 : i32
    %add3A_49 = arith.addi %mul3A_4, %add3A_48 : i32
    %dma_start3A_50 = arith.constant 0 : i32
    %dma_start3A_51 = arith.constant 0 : i32
    %dma_start3A_52 = arith.constant 0 : i32
    %dma_start3A_53 = arith.constant 0 : i32
    %dma_start3A_54 = tpu.memref_slice %arg14[%dma_start3A_50, %dma_start3A_52, %dma_start3A_53] : memref<3x128x128xf32, #tpu.memory_space<vmem>> -> memref<1x128x128xf32, #tpu.memory_space<vmem>>
    %dma_start3A_55 = tpu.memref_squeeze %dma_start3A_54 : memref<1x128x128xf32, #tpu.memory_space<vmem>> -> memref<128x128xf32, #tpu.memory_space<vmem>>
    %dma_start3A_56 = arith.constant 0 : i32
    %dma_start3A_57 = tpu.memref_slice %arg8[%add3A_49, %dma_start3A_56] : memref<16384x128xf32, #tpu.memory_space<hbm>> -> memref<128x128xf32, #tpu.memory_space<hbm>>
    %dma_start3A_58 = tpu.memref_slice %arg16[%dma_start3A_51] : memref<3x!tpu.dma_semaphore, #tpu.memory_space<semaphore_mem>> -> memref<1x!tpu.dma_semaphore, #tpu.memory_space<semaphore_mem>>
    %dma_start3A_59 = tpu.memref_squeeze %dma_start3A_58 : memref<1x!tpu.dma_semaphore, #tpu.memory_space<semaphore_mem>> -> memref<!tpu.dma_semaphore, #tpu.memory_space<semaphore_mem>>
    %dma_start3A_60 = arith.constant 0 : i32
    %dma_start3A_61 = tpu.memref_slice %arg8[%add3A_49, %dma_start3A_60] : memref<16384x128xf32, #tpu.memory_space<hbm>> -> memref<128x128xf32, #tpu.memory_space<hbm>>
    %dma_start3A_62 = arith.constant 0 : i32
    %dma_start3A_63 = arith.constant 0 : i32
    %dma_start3A_64 = tpu.memref_slice %arg14[%dma_start3A_50, %dma_start3A_62, %dma_start3A_63] : memref<3x128x128xf32, #tpu.memory_space<vmem>> -> memref<1x128x128xf32, #tpu.memory_space<vmem>>
    %dma_start3A_65 = tpu.memref_squeeze %dma_start3A_64 : memref<1x128x128xf32, #tpu.memory_space<vmem>> -> memref<128x128xf32, #tpu.memory_space<vmem>>
    tpu.enqueue_dma source(%dma_start3A_65 : memref<128x128xf32, #tpu.memory_space<vmem>>) target(%dma_start3A_61 : memref<128x128xf32, #tpu.memory_space<hbm>>) target_semaphore(%dma_start3A_59 : memref<!tpu.dma_semaphore, #tpu.memory_space<semaphore_mem>>)
    %dma_start3A_66 = arith.constant 2 : i32
    %dma_start3A_67 = arith.constant 2 : i32
    %dma_start3A_68 = arith.constant 2 : i32
    %dma_start3A_69 = arith.constant 0 : i32
    %dma_start3A_70 = arith.constant 0 : i32
    %dma_start3A_71 = tpu.memref_slice %arg14[%dma_start3A_67, %dma_start3A_69, %dma_start3A_70] : memref<3x128x128xf32, #tpu.memory_space<vmem>> -> memref<1x128x128xf32, #tpu.memory_space<vmem>>
    %dma_start3A_72 = tpu.memref_squeeze %dma_start3A_71 : memref<1x128x128xf32, #tpu.memory_space<vmem>> -> memref<128x128xf32, #tpu.memory_space<vmem>>
    %dma_start3A_73 = arith.constant 0 : i32
    %dma_start3A_74 = tpu.memref_slice %arg12[%dma_start3A_66, %dma_start3A_73] : memref<4x128xi32, #tpu.memory_space<vmem>> -> memref<1x128xi32, #tpu.memory_space<vmem>>
    %dma_start3A_75 = tpu.memref_squeeze %dma_start3A_74 : memref<1x128xi32, #tpu.memory_space<vmem>> -> memref<128xi32, #tpu.memory_space<vmem>>
    %dma_start3A_76 = arith.constant 0 : i32
    %dma_start3A_77 = arith.constant 0 : i32
    %dma_start3A_78 = tpu.memref_slice %arg4[%dma_start3A_76, %dma_start3A_77] : memref<253952x128xf32, #tpu.memory_space<hbm>> -> memref<253952x128xf32, #tpu.memory_space<hbm>>
    %dma_start3A_79 = tpu.memref_slice %arg15[%dma_start3A_68] : memref<3x!tpu.dma_semaphore, #tpu.memory_space<semaphore_mem>> -> memref<1x!tpu.dma_semaphore, #tpu.memory_space<semaphore_mem>>
    %dma_start3A_80 = tpu.memref_squeeze %dma_start3A_79 : memref<1x!tpu.dma_semaphore, #tpu.memory_space<semaphore_mem>> -> memref<!tpu.dma_semaphore, #tpu.memory_space<semaphore_mem>>
    tpu.enqueue_indirect_dma source(%dma_start3A_78 : memref<253952x128xf32, #tpu.memory_space<hbm>>) target(%dma_start3A_72 : memref<128x128xf32, #tpu.memory_space<vmem>>) offsets(%dma_start3A_75 : memref<128xi32, #tpu.memory_space<vmem>>) semaphore(%dma_start3A_80 : memref<!tpu.dma_semaphore, #tpu.memory_space<semaphore_mem>>)
    %dma_wait3A_81 = arith.constant 1 : i32
    %dma_wait3A_82 = arith.constant 1 : i32
    %dma_wait3A_83 = arith.constant 1 : i32
    %dma_wait3A_84 = arith.constant 0 : i32
    %dma_wait3A_85 = arith.constant 0 : i32
    %dma_wait3A_86 = tpu.memref_slice %arg14[%dma_wait3A_82, %dma_wait3A_84, %dma_wait3A_85] : memref<3x128x128xf32, #tpu.memory_space<vmem>> -> memref<1x128x128xf32, #tpu.memory_space<vmem>>
    %dma_wait3A_87 = tpu.memref_squeeze %dma_wait3A_86 : memref<1x128x128xf32, #tpu.memory_space<vmem>> -> memref<128x128xf32, #tpu.memory_space<vmem>>
    %dma_wait3A_88 = arith.constant 0 : i32
    %dma_wait3A_89 = tpu.memref_slice %arg12[%dma_wait3A_81, %dma_wait3A_88] : memref<4x128xi32, #tpu.memory_space<vmem>> -> memref<1x128xi32, #tpu.memory_space<vmem>>
    %dma_wait3A_90 = tpu.memref_squeeze %dma_wait3A_89 : memref<1x128xi32, #tpu.memory_space<vmem>> -> memref<128xi32, #tpu.memory_space<vmem>>
    %dma_wait3A_91 = arith.constant 0 : i32
    %dma_wait3A_92 = arith.constant 0 : i32
    %dma_wait3A_93 = tpu.memref_slice %arg4[%dma_wait3A_91, %dma_wait3A_92] : memref<253952x128xf32, #tpu.memory_space<hbm>> -> memref<253952x128xf32, #tpu.memory_space<hbm>>
    %dma_wait3A_94 = tpu.memref_slice %arg15[%dma_wait3A_83] : memref<3x!tpu.dma_semaphore, #tpu.memory_space<semaphore_mem>> -> memref<1x!tpu.dma_semaphore, #tpu.memory_space<semaphore_mem>>
    %dma_wait3A_95 = tpu.memref_squeeze %dma_wait3A_94 : memref<1x!tpu.dma_semaphore, #tpu.memory_space<semaphore_mem>> -> memref<!tpu.dma_semaphore, #tpu.memory_space<semaphore_mem>>
    tpu.wait_indirect_dma semaphore(%dma_wait3A_95 : memref<!tpu.dma_semaphore, #tpu.memory_space<semaphore_mem>>) src(%dma_wait3A_93 : memref<253952x128xf32, #tpu.memory_space<hbm>>) dst(%dma_wait3A_87 : memref<128x128xf32, #tpu.memory_space<vmem>>)
    %add3A_96 = arith.constant 128 : i32
    %add3A_97 = arith.addi %mul3A_4, %add3A_96 : i32
    %dma_start3A_98 = arith.constant 1 : i32
    %dma_start3A_99 = arith.constant 1 : i32
    %dma_start3A_100 = arith.constant 0 : i32
    %dma_start3A_101 = arith.constant 0 : i32
    %dma_start3A_102 = tpu.memref_slice %arg14[%dma_start3A_98, %dma_start3A_100, %dma_start3A_101] : memref<3x128x128xf32, #tpu.memory_space<vmem>> -> memref<1x128x128xf32, #tpu.memory_space<vmem>>
    %dma_start3A_103 = tpu.memref_squeeze %dma_start3A_102 : memref<1x128x128xf32, #tpu.memory_space<vmem>> -> memref<128x128xf32, #tpu.memory_space<vmem>>
    %dma_start3A_104 = arith.constant 0 : i32
    %dma_start3A_105 = tpu.memref_slice %arg8[%add3A_97, %dma_start3A_104] : memref<16384x128xf32, #tpu.memory_space<hbm>> -> memref<128x128xf32, #tpu.memory_space<hbm>>
    %dma_start3A_106 = tpu.memref_slice %arg16[%dma_start3A_99] : memref<3x!tpu.dma_semaphore, #tpu.memory_space<semaphore_mem>> -> memref<1x!tpu.dma_semaphore, #tpu.memory_space<semaphore_mem>>
    %dma_start3A_107 = tpu.memref_squeeze %dma_start3A_106 : memref<1x!tpu.dma_semaphore, #tpu.memory_space<semaphore_mem>> -> memref<!tpu.dma_semaphore, #tpu.memory_space<semaphore_mem>>
    %dma_start3A_108 = arith.constant 0 : i32
    %dma_start3A_109 = tpu.memref_slice %arg8[%add3A_97, %dma_start3A_108] : memref<16384x128xf32, #tpu.memory_space<hbm>> -> memref<128x128xf32, #tpu.memory_space<hbm>>
    %dma_start3A_110 = arith.constant 0 : i32
    %dma_start3A_111 = arith.constant 0 : i32
    %dma_start3A_112 = tpu.memref_slice %arg14[%dma_start3A_98, %dma_start3A_110, %dma_start3A_111] : memref<3x128x128xf32, #tpu.memory_space<vmem>> -> memref<1x128x128xf32, #tpu.memory_space<vmem>>
    %dma_start3A_113 = tpu.memref_squeeze %dma_start3A_112 : memref<1x128x128xf32, #tpu.memory_space<vmem>> -> memref<128x128xf32, #tpu.memory_space<vmem>>
    tpu.enqueue_dma source(%dma_start3A_113 : memref<128x128xf32, #tpu.memory_space<vmem>>) target(%dma_start3A_109 : memref<128x128xf32, #tpu.memory_space<hbm>>) target_semaphore(%dma_start3A_107 : memref<!tpu.dma_semaphore, #tpu.memory_space<semaphore_mem>>)
    %dma_wait3A_114 = arith.constant 0 : i32
    %dma_wait3A_115 = arith.constant 0 : i32
    %dma_wait3A_116 = arith.constant 0 : i32
    %dma_wait3A_117 = arith.constant 0 : i32
    %dma_wait3A_118 = tpu.memref_slice %arg14[%dma_wait3A_114, %dma_wait3A_116, %dma_wait3A_117] : memref<3x128x128xf32, #tpu.memory_space<vmem>> -> memref<1x128x128xf32, #tpu.memory_space<vmem>>
    %dma_wait3A_119 = tpu.memref_squeeze %dma_wait3A_118 : memref<1x128x128xf32, #tpu.memory_space<vmem>> -> memref<128x128xf32, #tpu.memory_space<vmem>>
    %dma_wait3A_120 = arith.constant 0 : i32
    %dma_wait3A_121 = tpu.memref_slice %arg8[%add3A_49, %dma_wait3A_120] : memref<16384x128xf32, #tpu.memory_space<hbm>> -> memref<128x128xf32, #tpu.memory_space<hbm>>
    %dma_wait3A_122 = tpu.memref_slice %arg16[%dma_wait3A_115] : memref<3x!tpu.dma_semaphore, #tpu.memory_space<semaphore_mem>> -> memref<1x!tpu.dma_semaphore, #tpu.memory_space<semaphore_mem>>
    %dma_wait3A_123 = tpu.memref_squeeze %dma_wait3A_122 : memref<1x!tpu.dma_semaphore, #tpu.memory_space<semaphore_mem>> -> memref<!tpu.dma_semaphore, #tpu.memory_space<semaphore_mem>>
    %dma_wait3A_124 = arith.constant 0 : i32
    %dma_wait3A_125 = tpu.memref_slice %arg8[%add3A_49, %dma_wait3A_124] : memref<16384x128xf32, #tpu.memory_space<hbm>> -> memref<128x128xf32, #tpu.memory_space<hbm>>
    %dma_wait3A_126 = arith.constant 0 : i32
    %dma_wait3A_127 = arith.constant 0 : i32
    %dma_wait3A_128 = tpu.memref_slice %arg14[%dma_wait3A_114, %dma_wait3A_126, %dma_wait3A_127] : memref<3x128x128xf32, #tpu.memory_space<vmem>> -> memref<1x128x128xf32, #tpu.memory_space<vmem>>
    %dma_wait3A_129 = tpu.memref_squeeze %dma_wait3A_128 : memref<1x128x128xf32, #tpu.memory_space<vmem>> -> memref<128x128xf32, #tpu.memory_space<vmem>>
    tpu.wait_dma2 semaphore(%dma_wait3A_123 : memref<!tpu.dma_semaphore, #tpu.memory_space<semaphore_mem>>) src(%dma_wait3A_129 : memref<128x128xf32, #tpu.memory_space<vmem>>) dst(%dma_wait3A_125 : memref<128x128xf32, #tpu.memory_space<hbm>>)
    %dma_start3A_130 = arith.constant 3 : i32
    %dma_start3A_131 = arith.constant 0 : i32
    %dma_start3A_132 = arith.constant 0 : i32
    %dma_start3A_133 = arith.constant 0 : i32
    %dma_start3A_134 = arith.constant 0 : i32
    %dma_start3A_135 = tpu.memref_slice %arg14[%dma_start3A_131, %dma_start3A_133, %dma_start3A_134] : memref<3x128x128xf32, #tpu.memory_space<vmem>> -> memref<1x128x128xf32, #tpu.memory_space<vmem>>
    %dma_start3A_136 = tpu.memref_squeeze %dma_start3A_135 : memref<1x128x128xf32, #tpu.memory_space<vmem>> -> memref<128x128xf32, #tpu.memory_space<vmem>>
    %dma_start3A_137 = arith.constant 0 : i32
    %dma_start3A_138 = tpu.memref_slice %arg12[%dma_start3A_130, %dma_start3A_137] : memref<4x128xi32, #tpu.memory_space<vmem>> -> memref<1x128xi32, #tpu.memory_space<vmem>>
    %dma_start3A_139 = tpu.memref_squeeze %dma_start3A_138 : memref<1x128xi32, #tpu.memory_space<vmem>> -> memref<128xi32, #tpu.memory_space<vmem>>
    %dma_start3A_140 = arith.constant 0 : i32
    %dma_start3A_141 = arith.constant 0 : i32
    %dma_start3A_142 = tpu.memref_slice %arg4[%dma_start3A_140, %dma_start3A_141] : memref<253952x128xf32, #tpu.memory_space<hbm>> -> memref<253952x128xf32, #tpu.memory_space<hbm>>
    %dma_start3A_143 = tpu.memref_slice %arg15[%dma_start3A_132] : memref<3x!tpu.dma_semaphore, #tpu.memory_space<semaphore_mem>> -> memref<1x!tpu.dma_semaphore, #tpu.memory_space<semaphore_mem>>
    %dma_start3A_144 = tpu.memref_squeeze %dma_start3A_143 : memref<1x!tpu.dma_semaphore, #tpu.memory_space<semaphore_mem>> -> memref<!tpu.dma_semaphore, #tpu.memory_space<semaphore_mem>>
    tpu.enqueue_indirect_dma source(%dma_start3A_142 : memref<253952x128xf32, #tpu.memory_space<hbm>>) target(%dma_start3A_136 : memref<128x128xf32, #tpu.memory_space<vmem>>) offsets(%dma_start3A_139 : memref<128xi32, #tpu.memory_space<vmem>>) semaphore(%dma_start3A_144 : memref<!tpu.dma_semaphore, #tpu.memory_space<semaphore_mem>>)
    %dma_wait3A_145 = arith.constant 2 : i32
    %dma_wait3A_146 = arith.constant 2 : i32
    %dma_wait3A_147 = arith.constant 2 : i32
    %dma_wait3A_148 = arith.constant 0 : i32
    %dma_wait3A_149 = arith.constant 0 : i32
    %dma_wait3A_150 = tpu.memref_slice %arg14[%dma_wait3A_146, %dma_wait3A_148, %dma_wait3A_149] : memref<3x128x128xf32, #tpu.memory_space<vmem>> -> memref<1x128x128xf32, #tpu.memory_space<vmem>>
    %dma_wait3A_151 = tpu.memref_squeeze %dma_wait3A_150 : memref<1x128x128xf32, #tpu.memory_space<vmem>> -> memref<128x128xf32, #tpu.memory_space<vmem>>
    %dma_wait3A_152 = arith.constant 0 : i32
    %dma_wait3A_153 = tpu.memref_slice %arg12[%dma_wait3A_145, %dma_wait3A_152] : memref<4x128xi32, #tpu.memory_space<vmem>> -> memref<1x128xi32, #tpu.memory_space<vmem>>
    %dma_wait3A_154 = tpu.memref_squeeze %dma_wait3A_153 : memref<1x128xi32, #tpu.memory_space<vmem>> -> memref<128xi32, #tpu.memory_space<vmem>>
    %dma_wait3A_155 = arith.constant 0 : i32
    %dma_wait3A_156 = arith.constant 0 : i32
    %dma_wait3A_157 = tpu.memref_slice %arg4[%dma_wait3A_155, %dma_wait3A_156] : memref<253952x128xf32, #tpu.memory_space<hbm>> -> memref<253952x128xf32, #tpu.memory_space<hbm>>
    %dma_wait3A_158 = tpu.memref_slice %arg15[%dma_wait3A_147] : memref<3x!tpu.dma_semaphore, #tpu.memory_space<semaphore_mem>> -> memref<1x!tpu.dma_semaphore, #tpu.memory_space<semaphore_mem>>
    %dma_wait3A_159 = tpu.memref_squeeze %dma_wait3A_158 : memref<1x!tpu.dma_semaphore, #tpu.memory_space<semaphore_mem>> -> memref<!tpu.dma_semaphore, #tpu.memory_space<semaphore_mem>>
    tpu.wait_indirect_dma semaphore(%dma_wait3A_159 : memref<!tpu.dma_semaphore, #tpu.memory_space<semaphore_mem>>) src(%dma_wait3A_157 : memref<253952x128xf32, #tpu.memory_space<hbm>>) dst(%dma_wait3A_151 : memref<128x128xf32, #tpu.memory_space<vmem>>)
    %add3A_160 = arith.constant 256 : i32
    %add3A_161 = arith.addi %mul3A_4, %add3A_160 : i32
    %dma_start3A_162 = arith.constant 2 : i32
    %dma_start3A_163 = arith.constant 2 : i32
    %dma_start3A_164 = arith.constant 0 : i32
    %dma_start3A_165 = arith.constant 0 : i32
    %dma_start3A_166 = tpu.memref_slice %arg14[%dma_start3A_162, %dma_start3A_164, %dma_start3A_165] : memref<3x128x128xf32, #tpu.memory_space<vmem>> -> memref<1x128x128xf32, #tpu.memory_space<vmem>>
    %dma_start3A_167 = tpu.memref_squeeze %dma_start3A_166 : memref<1x128x128xf32, #tpu.memory_space<vmem>> -> memref<128x128xf32, #tpu.memory_space<vmem>>
    %dma_start3A_168 = arith.constant 0 : i32
    %dma_start3A_169 = tpu.memref_slice %arg8[%add3A_161, %dma_start3A_168] : memref<16384x128xf32, #tpu.memory_space<hbm>> -> memref<128x128xf32, #tpu.memory_space<hbm>>
    %dma_start3A_170 = tpu.memref_slice %arg16[%dma_start3A_163] : memref<3x!tpu.dma_semaphore, #tpu.memory_space<semaphore_mem>> -> memref<1x!tpu.dma_semaphore, #tpu.memory_space<semaphore_mem>>
    %dma_start3A_171 = tpu.memref_squeeze %dma_start3A_170 : memref<1x!tpu.dma_semaphore, #tpu.memory_space<semaphore_mem>> -> memref<!tpu.dma_semaphore, #tpu.memory_space<semaphore_mem>>
    %dma_start3A_172 = arith.constant 0 : i32
    %dma_start3A_173 = tpu.memref_slice %arg8[%add3A_161, %dma_start3A_172] : memref<16384x128xf32, #tpu.memory_space<hbm>> -> memref<128x128xf32, #tpu.memory_space<hbm>>
    %dma_start3A_174 = arith.constant 0 : i32
    %dma_start3A_175 = arith.constant 0 : i32
    %dma_start3A_176 = tpu.memref_slice %arg14[%dma_start3A_162, %dma_start3A_174, %dma_start3A_175] : memref<3x128x128xf32, #tpu.memory_space<vmem>> -> memref<1x128x128xf32, #tpu.memory_space<vmem>>
    %dma_start3A_177 = tpu.memref_squeeze %dma_start3A_176 : memref<1x128x128xf32, #tpu.memory_space<vmem>> -> memref<128x128xf32, #tpu.memory_space<vmem>>
    tpu.enqueue_dma source(%dma_start3A_177 : memref<128x128xf32, #tpu.memory_space<vmem>>) target(%dma_start3A_173 : memref<128x128xf32, #tpu.memory_space<hbm>>) target_semaphore(%dma_start3A_171 : memref<!tpu.dma_semaphore, #tpu.memory_space<semaphore_mem>>)
    %dma_wait3A_178 = arith.constant 1 : i32
    %dma_wait3A_179 = arith.constant 1 : i32
    %dma_wait3A_180 = arith.constant 0 : i32
    %dma_wait3A_181 = arith.constant 0 : i32
    %dma_wait3A_182 = tpu.memref_slice %arg14[%dma_wait3A_178, %dma_wait3A_180, %dma_wait3A_181] : memref<3x128x128xf32, #tpu.memory_space<vmem>> -> memref<1x128x128xf32, #tpu.memory_space<vmem>>
    %dma_wait3A_183 = tpu.memref_squeeze %dma_wait3A_182 : memref<1x128x128xf32, #tpu.memory_space<vmem>> -> memref<128x128xf32, #tpu.memory_space<vmem>>
    %dma_wait3A_184 = arith.constant 0 : i32
    %dma_wait3A_185 = tpu.memref_slice %arg8[%add3A_97, %dma_wait3A_184] : memref<16384x128xf32, #tpu.memory_space<hbm>> -> memref<128x128xf32, #tpu.memory_space<hbm>>
    %dma_wait3A_186 = tpu.memref_slice %arg16[%dma_wait3A_179] : memref<3x!tpu.dma_semaphore, #tpu.memory_space<semaphore_mem>> -> memref<1x!tpu.dma_semaphore, #tpu.memory_space<semaphore_mem>>
    %dma_wait3A_187 = tpu.memref_squeeze %dma_wait3A_186 : memref<1x!tpu.dma_semaphore, #tpu.memory_space<semaphore_mem>> -> memref<!tpu.dma_semaphore, #tpu.memory_space<semaphore_mem>>
    %dma_wait3A_188 = arith.constant 0 : i32
    %dma_wait3A_189 = tpu.memref_slice %arg8[%add3A_97, %dma_wait3A_188] : memref<16384x128xf32, #tpu.memory_space<hbm>> -> memref<128x128xf32, #tpu.memory_space<hbm>>
    %dma_wait3A_190 = arith.constant 0 : i32
    %dma_wait3A_191 = arith.constant 0 : i32
    %dma_wait3A_192 = tpu.memref_slice %arg14[%dma_wait3A_178, %dma_wait3A_190, %dma_wait3A_191] : memref<3x128x128xf32, #tpu.memory_space<vmem>> -> memref<1x128x128xf32, #tpu.memory_space<vmem>>
    %dma_wait3A_193 = tpu.memref_squeeze %dma_wait3A_192 : memref<1x128x128xf32, #tpu.memory_space<vmem>> -> memref<128x128xf32, #tpu.memory_space<vmem>>
    tpu.wait_dma2 semaphore(%dma_wait3A_187 : memref<!tpu.dma_semaphore, #tpu.memory_space<semaphore_mem>>) src(%dma_wait3A_193 : memref<128x128xf32, #tpu.memory_space<vmem>>) dst(%dma_wait3A_189 : memref<128x128xf32, #tpu.memory_space<hbm>>)
    %dma_start3A_194 = arith.constant 0 : i32
    %dma_start3A_195 = arith.constant 1 : i32
    %dma_start3A_196 = arith.constant 1 : i32
    %dma_start3A_197 = arith.constant 0 : i32
    %dma_start3A_198 = arith.constant 0 : i32
    %dma_start3A_199 = tpu.memref_slice %arg14[%dma_start3A_195, %dma_start3A_197, %dma_start3A_198] : memref<3x128x128xf32, #tpu.memory_space<vmem>> -> memref<1x128x128xf32, #tpu.memory_space<vmem>>
    %dma_start3A_200 = tpu.memref_squeeze %dma_start3A_199 : memref<1x128x128xf32, #tpu.memory_space<vmem>> -> memref<128x128xf32, #tpu.memory_space<vmem>>
    %dma_start3A_201 = arith.constant 0 : i32
    %dma_start3A_202 = tpu.memref_slice %arg13[%dma_start3A_194, %dma_start3A_201] : memref<4x128xi32, #tpu.memory_space<vmem>> -> memref<1x128xi32, #tpu.memory_space<vmem>>
    %dma_start3A_203 = tpu.memref_squeeze %dma_start3A_202 : memref<1x128xi32, #tpu.memory_space<vmem>> -> memref<128xi32, #tpu.memory_space<vmem>>
    %dma_start3A_204 = arith.constant 0 : i32
    %dma_start3A_205 = arith.constant 0 : i32
    %dma_start3A_206 = tpu.memref_slice %arg5[%dma_start3A_204, %dma_start3A_205] : memref<253952x128xf32, #tpu.memory_space<hbm>> -> memref<253952x128xf32, #tpu.memory_space<hbm>>
    %dma_start3A_207 = tpu.memref_slice %arg15[%dma_start3A_196] : memref<3x!tpu.dma_semaphore, #tpu.memory_space<semaphore_mem>> -> memref<1x!tpu.dma_semaphore, #tpu.memory_space<semaphore_mem>>
    %dma_start3A_208 = tpu.memref_squeeze %dma_start3A_207 : memref<1x!tpu.dma_semaphore, #tpu.memory_space<semaphore_mem>> -> memref<!tpu.dma_semaphore, #tpu.memory_space<semaphore_mem>>
    tpu.enqueue_indirect_dma source(%dma_start3A_206 : memref<253952x128xf32, #tpu.memory_space<hbm>>) target(%dma_start3A_200 : memref<128x128xf32, #tpu.memory_space<vmem>>) offsets(%dma_start3A_203 : memref<128xi32, #tpu.memory_space<vmem>>) semaphore(%dma_start3A_208 : memref<!tpu.dma_semaphore, #tpu.memory_space<semaphore_mem>>)
    %dma_wait3A_209 = arith.constant 3 : i32
    %dma_wait3A_210 = arith.constant 0 : i32
    %dma_wait3A_211 = arith.constant 0 : i32
    %dma_wait3A_212 = arith.constant 0 : i32
    %dma_wait3A_213 = arith.constant 0 : i32
    %dma_wait3A_214 = tpu.memref_slice %arg14[%dma_wait3A_210, %dma_wait3A_212, %dma_wait3A_213] : memref<3x128x128xf32, #tpu.memory_space<vmem>> -> memref<1x128x128xf32, #tpu.memory_space<vmem>>
    %dma_wait3A_215 = tpu.memref_squeeze %dma_wait3A_214 : memref<1x128x128xf32, #tpu.memory_space<vmem>> -> memref<128x128xf32, #tpu.memory_space<vmem>>
    %dma_wait3A_216 = arith.constant 0 : i32
    %dma_wait3A_217 = tpu.memref_slice %arg12[%dma_wait3A_209, %dma_wait3A_216] : memref<4x128xi32, #tpu.memory_space<vmem>> -> memref<1x128xi32, #tpu.memory_space<vmem>>
    %dma_wait3A_218 = tpu.memref_squeeze %dma_wait3A_217 : memref<1x128xi32, #tpu.memory_space<vmem>> -> memref<128xi32, #tpu.memory_space<vmem>>
    %dma_wait3A_219 = arith.constant 0 : i32
    %dma_wait3A_220 = arith.constant 0 : i32
    %dma_wait3A_221 = tpu.memref_slice %arg4[%dma_wait3A_219, %dma_wait3A_220] : memref<253952x128xf32, #tpu.memory_space<hbm>> -> memref<253952x128xf32, #tpu.memory_space<hbm>>
    %dma_wait3A_222 = tpu.memref_slice %arg15[%dma_wait3A_211] : memref<3x!tpu.dma_semaphore, #tpu.memory_space<semaphore_mem>> -> memref<1x!tpu.dma_semaphore, #tpu.memory_space<semaphore_mem>>
    %dma_wait3A_223 = tpu.memref_squeeze %dma_wait3A_222 : memref<1x!tpu.dma_semaphore, #tpu.memory_space<semaphore_mem>> -> memref<!tpu.dma_semaphore, #tpu.memory_space<semaphore_mem>>
    tpu.wait_indirect_dma semaphore(%dma_wait3A_223 : memref<!tpu.dma_semaphore, #tpu.memory_space<semaphore_mem>>) src(%dma_wait3A_221 : memref<253952x128xf32, #tpu.memory_space<hbm>>) dst(%dma_wait3A_215 : memref<128x128xf32, #tpu.memory_space<vmem>>)
    %add3A_224 = arith.constant 384 : i32
    %add3A_225 = arith.addi %mul3A_4, %add3A_224 : i32
    %dma_start3A_226 = arith.constant 0 : i32
    %dma_start3A_227 = arith.constant 0 : i32
    %dma_start3A_228 = arith.constant 0 : i32
    %dma_start3A_229 = arith.constant 0 : i32
    %dma_start3A_230 = tpu.memref_slice %arg14[%dma_start3A_226, %dma_start3A_228, %dma_start3A_229] : memref<3x128x128xf32, #tpu.memory_space<vmem>> -> memref<1x128x128xf32, #tpu.memory_space<vmem>>
    %dma_start3A_231 = tpu.memref_squeeze %dma_start3A_230 : memref<1x128x128xf32, #tpu.memory_space<vmem>> -> memref<128x128xf32, #tpu.memory_space<vmem>>
    %dma_start3A_232 = arith.constant 0 : i32
    %dma_start3A_233 = tpu.memref_slice %arg8[%add3A_225, %dma_start3A_232] : memref<16384x128xf32, #tpu.memory_space<hbm>> -> memref<128x128xf32, #tpu.memory_space<hbm>>
    %dma_start3A_234 = tpu.memref_slice %arg16[%dma_start3A_227] : memref<3x!tpu.dma_semaphore, #tpu.memory_space<semaphore_mem>> -> memref<1x!tpu.dma_semaphore, #tpu.memory_space<semaphore_mem>>
    %dma_start3A_235 = tpu.memref_squeeze %dma_start3A_234 : memref<1x!tpu.dma_semaphore, #tpu.memory_space<semaphore_mem>> -> memref<!tpu.dma_semaphore, #tpu.memory_space<semaphore_mem>>
    %dma_start3A_236 = arith.constant 0 : i32
    %dma_start3A_237 = tpu.memref_slice %arg8[%add3A_225, %dma_start3A_236] : memref<16384x128xf32, #tpu.memory_space<hbm>> -> memref<128x128xf32, #tpu.memory_space<hbm>>
    %dma_start3A_238 = arith.constant 0 : i32
    %dma_start3A_239 = arith.constant 0 : i32
    %dma_start3A_240 = tpu.memref_slice %arg14[%dma_start3A_226, %dma_start3A_238, %dma_start3A_239] : memref<3x128x128xf32, #tpu.memory_space<vmem>> -> memref<1x128x128xf32, #tpu.memory_space<vmem>>
    %dma_start3A_241 = tpu.memref_squeeze %dma_start3A_240 : memref<1x128x128xf32, #tpu.memory_space<vmem>> -> memref<128x128xf32, #tpu.memory_space<vmem>>
    tpu.enqueue_dma source(%dma_start3A_241 : memref<128x128xf32, #tpu.memory_space<vmem>>) target(%dma_start3A_237 : memref<128x128xf32, #tpu.memory_space<hbm>>) target_semaphore(%dma_start3A_235 : memref<!tpu.dma_semaphore, #tpu.memory_space<semaphore_mem>>)
    %dma_wait3A_242 = arith.constant 2 : i32
    %dma_wait3A_243 = arith.constant 2 : i32
    %dma_wait3A_244 = arith.constant 0 : i32
    %dma_wait3A_245 = arith.constant 0 : i32
    %dma_wait3A_246 = tpu.memref_slice %arg14[%dma_wait3A_242, %dma_wait3A_244, %dma_wait3A_245] : memref<3x128x128xf32, #tpu.memory_space<vmem>> -> memref<1x128x128xf32, #tpu.memory_space<vmem>>
    %dma_wait3A_247 = tpu.memref_squeeze %dma_wait3A_246 : memref<1x128x128xf32, #tpu.memory_space<vmem>> -> memref<128x128xf32, #tpu.memory_space<vmem>>
    %dma_wait3A_248 = arith.constant 0 : i32
    %dma_wait3A_249 = tpu.memref_slice %arg8[%add3A_161, %dma_wait3A_248] : memref<16384x128xf32, #tpu.memory_space<hbm>> -> memref<128x128xf32, #tpu.memory_space<hbm>>
    %dma_wait3A_250 = tpu.memref_slice %arg16[%dma_wait3A_243] : memref<3x!tpu.dma_semaphore, #tpu.memory_space<semaphore_mem>> -> memref<1x!tpu.dma_semaphore, #tpu.memory_space<semaphore_mem>>
    %dma_wait3A_251 = tpu.memref_squeeze %dma_wait3A_250 : memref<1x!tpu.dma_semaphore, #tpu.memory_space<semaphore_mem>> -> memref<!tpu.dma_semaphore, #tpu.memory_space<semaphore_mem>>
    %dma_wait3A_252 = arith.constant 0 : i32
    %dma_wait3A_253 = tpu.memref_slice %arg8[%add3A_161, %dma_wait3A_252] : memref<16384x128xf32, #tpu.memory_space<hbm>> -> memref<128x128xf32, #tpu.memory_space<hbm>>
    %dma_wait3A_254 = arith.constant 0 : i32
    %dma_wait3A_255 = arith.constant 0 : i32
    %dma_wait3A_256 = tpu.memref_slice %arg14[%dma_wait3A_242, %dma_wait3A_254, %dma_wait3A_255] : memref<3x128x128xf32, #tpu.memory_space<vmem>> -> memref<1x128x128xf32, #tpu.memory_space<vmem>>
    %dma_wait3A_257 = tpu.memref_squeeze %dma_wait3A_256 : memref<1x128x128xf32, #tpu.memory_space<vmem>> -> memref<128x128xf32, #tpu.memory_space<vmem>>
    tpu.wait_dma2 semaphore(%dma_wait3A_251 : memref<!tpu.dma_semaphore, #tpu.memory_space<semaphore_mem>>) src(%dma_wait3A_257 : memref<128x128xf32, #tpu.memory_space<vmem>>) dst(%dma_wait3A_253 : memref<128x128xf32, #tpu.memory_space<hbm>>)
    %dma_start3A_258 = arith.constant 1 : i32
    %dma_start3A_259 = arith.constant 2 : i32
    %dma_start3A_260 = arith.constant 2 : i32
    %dma_start3A_261 = arith.constant 0 : i32
    %dma_start3A_262 = arith.constant 0 : i32
    %dma_start3A_263 = tpu.memref_slice %arg14[%dma_start3A_259, %dma_start3A_261, %dma_start3A_262] : memref<3x128x128xf32, #tpu.memory_space<vmem>> -> memref<1x128x128xf32, #tpu.memory_space<vmem>>
    %dma_start3A_264 = tpu.memref_squeeze %dma_start3A_263 : memref<1x128x128xf32, #tpu.memory_space<vmem>> -> memref<128x128xf32, #tpu.memory_space<vmem>>
    %dma_start3A_265 = arith.constant 0 : i32
    %dma_start3A_266 = tpu.memref_slice %arg13[%dma_start3A_258, %dma_start3A_265] : memref<4x128xi32, #tpu.memory_space<vmem>> -> memref<1x128xi32, #tpu.memory_space<vmem>>
    %dma_start3A_267 = tpu.memref_squeeze %dma_start3A_266 : memref<1x128xi32, #tpu.memory_space<vmem>> -> memref<128xi32, #tpu.memory_space<vmem>>
    %dma_start3A_268 = arith.constant 0 : i32
    %dma_start3A_269 = arith.constant 0 : i32
    %dma_start3A_270 = tpu.memref_slice %arg5[%dma_start3A_268, %dma_start3A_269] : memref<253952x128xf32, #tpu.memory_space<hbm>> -> memref<253952x128xf32, #tpu.memory_space<hbm>>
    %dma_start3A_271 = tpu.memref_slice %arg15[%dma_start3A_260] : memref<3x!tpu.dma_semaphore, #tpu.memory_space<semaphore_mem>> -> memref<1x!tpu.dma_semaphore, #tpu.memory_space<semaphore_mem>>
    %dma_start3A_272 = tpu.memref_squeeze %dma_start3A_271 : memref<1x!tpu.dma_semaphore, #tpu.memory_space<semaphore_mem>> -> memref<!tpu.dma_semaphore, #tpu.memory_space<semaphore_mem>>
    tpu.enqueue_indirect_dma source(%dma_start3A_270 : memref<253952x128xf32, #tpu.memory_space<hbm>>) target(%dma_start3A_264 : memref<128x128xf32, #tpu.memory_space<vmem>>) offsets(%dma_start3A_267 : memref<128xi32, #tpu.memory_space<vmem>>) semaphore(%dma_start3A_272 : memref<!tpu.dma_semaphore, #tpu.memory_space<semaphore_mem>>)
    %dma_wait3A_273 = arith.constant 0 : i32
    %dma_wait3A_274 = arith.constant 1 : i32
    %dma_wait3A_275 = arith.constant 1 : i32
    %dma_wait3A_276 = arith.constant 0 : i32
    %dma_wait3A_277 = arith.constant 0 : i32
    %dma_wait3A_278 = tpu.memref_slice %arg14[%dma_wait3A_274, %dma_wait3A_276, %dma_wait3A_277] : memref<3x128x128xf32, #tpu.memory_space<vmem>> -> memref<1x128x128xf32, #tpu.memory_space<vmem>>
    %dma_wait3A_279 = tpu.memref_squeeze %dma_wait3A_278 : memref<1x128x128xf32, #tpu.memory_space<vmem>> -> memref<128x128xf32, #tpu.memory_space<vmem>>
    %dma_wait3A_280 = arith.constant 0 : i32
    %dma_wait3A_281 = tpu.memref_slice %arg13[%dma_wait3A_273, %dma_wait3A_280] : memref<4x128xi32, #tpu.memory_space<vmem>> -> memref<1x128xi32, #tpu.memory_space<vmem>>
    %dma_wait3A_282 = tpu.memref_squeeze %dma_wait3A_281 : memref<1x128xi32, #tpu.memory_space<vmem>> -> memref<128xi32, #tpu.memory_space<vmem>>
    %dma_wait3A_283 = arith.constant 0 : i32
    %dma_wait3A_284 = arith.constant 0 : i32
    %dma_wait3A_285 = tpu.memref_slice %arg5[%dma_wait3A_283, %dma_wait3A_284] : memref<253952x128xf32, #tpu.memory_space<hbm>> -> memref<253952x128xf32, #tpu.memory_space<hbm>>
    %dma_wait3A_286 = tpu.memref_slice %arg15[%dma_wait3A_275] : memref<3x!tpu.dma_semaphore, #tpu.memory_space<semaphore_mem>> -> memref<1x!tpu.dma_semaphore, #tpu.memory_space<semaphore_mem>>
    %dma_wait3A_287 = tpu.memref_squeeze %dma_wait3A_286 : memref<1x!tpu.dma_semaphore, #tpu.memory_space<semaphore_mem>> -> memref<!tpu.dma_semaphore, #tpu.memory_space<semaphore_mem>>
    tpu.wait_indirect_dma semaphore(%dma_wait3A_287 : memref<!tpu.dma_semaphore, #tpu.memory_space<semaphore_mem>>) src(%dma_wait3A_285 : memref<253952x128xf32, #tpu.memory_space<hbm>>) dst(%dma_wait3A_279 : memref<128x128xf32, #tpu.memory_space<vmem>>)
    %add3A_288 = arith.constant 0 : i32
    %add3A_289 = arith.addi %mul3A_4, %add3A_288 : i32
    %dma_start3A_290 = arith.constant 1 : i32
    %dma_start3A_291 = arith.constant 1 : i32
    %dma_start3A_292 = arith.constant 0 : i32
    %dma_start3A_293 = arith.constant 0 : i32
    %dma_start3A_294 = tpu.memref_slice %arg14[%dma_start3A_290, %dma_start3A_292, %dma_start3A_293] : memref<3x128x128xf32, #tpu.memory_space<vmem>> -> memref<1x128x128xf32, #tpu.memory_space<vmem>>
    %dma_start3A_295 = tpu.memref_squeeze %dma_start3A_294 : memref<1x128x128xf32, #tpu.memory_space<vmem>> -> memref<128x128xf32, #tpu.memory_space<vmem>>
    %dma_start3A_296 = arith.constant 0 : i32
    %dma_start3A_297 = tpu.memref_slice %arg9[%add3A_289, %dma_start3A_296] : memref<16384x128xf32, #tpu.memory_space<hbm>> -> memref<128x128xf32, #tpu.memory_space<hbm>>
    %dma_start3A_298 = tpu.memref_slice %arg16[%dma_start3A_291] : memref<3x!tpu.dma_semaphore, #tpu.memory_space<semaphore_mem>> -> memref<1x!tpu.dma_semaphore, #tpu.memory_space<semaphore_mem>>
    %dma_start3A_299 = tpu.memref_squeeze %dma_start3A_298 : memref<1x!tpu.dma_semaphore, #tpu.memory_space<semaphore_mem>> -> memref<!tpu.dma_semaphore, #tpu.memory_space<semaphore_mem>>
    %dma_start3A_300 = arith.constant 0 : i32
    %dma_start3A_301 = tpu.memref_slice %arg9[%add3A_289, %dma_start3A_300] : memref<16384x128xf32, #tpu.memory_space<hbm>> -> memref<128x128xf32, #tpu.memory_space<hbm>>
    %dma_start3A_302 = arith.constant 0 : i32
    %dma_start3A_303 = arith.constant 0 : i32
    %dma_start3A_304 = tpu.memref_slice %arg14[%dma_start3A_290, %dma_start3A_302, %dma_start3A_303] : memref<3x128x128xf32, #tpu.memory_space<vmem>> -> memref<1x128x128xf32, #tpu.memory_space<vmem>>
    %dma_start3A_305 = tpu.memref_squeeze %dma_start3A_304 : memref<1x128x128xf32, #tpu.memory_space<vmem>> -> memref<128x128xf32, #tpu.memory_space<vmem>>
    tpu.enqueue_dma source(%dma_start3A_305 : memref<128x128xf32, #tpu.memory_space<vmem>>) target(%dma_start3A_301 : memref<128x128xf32, #tpu.memory_space<hbm>>) target_semaphore(%dma_start3A_299 : memref<!tpu.dma_semaphore, #tpu.memory_space<semaphore_mem>>)
    %dma_wait3A_306 = arith.constant 0 : i32
    %dma_wait3A_307 = arith.constant 0 : i32
    %dma_wait3A_308 = arith.constant 0 : i32
    %dma_wait3A_309 = arith.constant 0 : i32
    %dma_wait3A_310 = tpu.memref_slice %arg14[%dma_wait3A_306, %dma_wait3A_308, %dma_wait3A_309] : memref<3x128x128xf32, #tpu.memory_space<vmem>> -> memref<1x128x128xf32, #tpu.memory_space<vmem>>
    %dma_wait3A_311 = tpu.memref_squeeze %dma_wait3A_310 : memref<1x128x128xf32, #tpu.memory_space<vmem>> -> memref<128x128xf32, #tpu.memory_space<vmem>>
    %dma_wait3A_312 = arith.constant 0 : i32
    %dma_wait3A_313 = tpu.memref_slice %arg8[%add3A_225, %dma_wait3A_312] : memref<16384x128xf32, #tpu.memory_space<hbm>> -> memref<128x128xf32, #tpu.memory_space<hbm>>
    %dma_wait3A_314 = tpu.memref_slice %arg16[%dma_wait3A_307] : memref<3x!tpu.dma_semaphore, #tpu.memory_space<semaphore_mem>> -> memref<1x!tpu.dma_semaphore, #tpu.memory_space<semaphore_mem>>
    %dma_wait3A_315 = tpu.memref_squeeze %dma_wait3A_314 : memref<1x!tpu.dma_semaphore, #tpu.memory_space<semaphore_mem>> -> memref<!tpu.dma_semaphore, #tpu.memory_space<semaphore_mem>>
    %dma_wait3A_316 = arith.constant 0 : i32
    %dma_wait3A_317 = tpu.memref_slice %arg8[%add3A_225, %dma_wait3A_316] : memref<16384x128xf32, #tpu.memory_space<hbm>> -> memref<128x128xf32, #tpu.memory_space<hbm>>
    %dma_wait3A_318 = arith.constant 0 : i32
    %dma_wait3A_319 = arith.constant 0 : i32
    %dma_wait3A_320 = tpu.memref_slice %arg14[%dma_wait3A_306, %dma_wait3A_318, %dma_wait3A_319] : memref<3x128x128xf32, #tpu.memory_space<vmem>> -> memref<1x128x128xf32, #tpu.memory_space<vmem>>
    %dma_wait3A_321 = tpu.memref_squeeze %dma_wait3A_320 : memref<1x128x128xf32, #tpu.memory_space<vmem>> -> memref<128x128xf32, #tpu.memory_space<vmem>>
    tpu.wait_dma2 semaphore(%dma_wait3A_315 : memref<!tpu.dma_semaphore, #tpu.memory_space<semaphore_mem>>) src(%dma_wait3A_321 : memref<128x128xf32, #tpu.memory_space<vmem>>) dst(%dma_wait3A_317 : memref<128x128xf32, #tpu.memory_space<hbm>>)
    %dma_start3A_322 = arith.constant 2 : i32
    %dma_start3A_323 = arith.constant 0 : i32
    %dma_start3A_324 = arith.constant 0 : i32
    %dma_start3A_325 = arith.constant 0 : i32
    %dma_start3A_326 = arith.constant 0 : i32
    %dma_start3A_327 = tpu.memref_slice %arg14[%dma_start3A_323, %dma_start3A_325, %dma_start3A_326] : memref<3x128x128xf32, #tpu.memory_space<vmem>> -> memref<1x128x128xf32, #tpu.memory_space<vmem>>
    %dma_start3A_328 = tpu.memref_squeeze %dma_start3A_327 : memref<1x128x128xf32, #tpu.memory_space<vmem>> -> memref<128x128xf32, #tpu.memory_space<vmem>>
    %dma_start3A_329 = arith.constant 0 : i32
    %dma_start3A_330 = tpu.memref_slice %arg13[%dma_start3A_322, %dma_start3A_329] : memref<4x128xi32, #tpu.memory_space<vmem>> -> memref<1x128xi32, #tpu.memory_space<vmem>>
    %dma_start3A_331 = tpu.memref_squeeze %dma_start3A_330 : memref<1x128xi32, #tpu.memory_space<vmem>> -> memref<128xi32, #tpu.memory_space<vmem>>
    %dma_start3A_332 = arith.constant 0 : i32
    %dma_start3A_333 = arith.constant 0 : i32
    %dma_start3A_334 = tpu.memref_slice %arg5[%dma_start3A_332, %dma_start3A_333] : memref<253952x128xf32, #tpu.memory_space<hbm>> -> memref<253952x128xf32, #tpu.memory_space<hbm>>
    %dma_start3A_335 = tpu.memref_slice %arg15[%dma_start3A_324] : memref<3x!tpu.dma_semaphore, #tpu.memory_space<semaphore_mem>> -> memref<1x!tpu.dma_semaphore, #tpu.memory_space<semaphore_mem>>
    %dma_start3A_336 = tpu.memref_squeeze %dma_start3A_335 : memref<1x!tpu.dma_semaphore, #tpu.memory_space<semaphore_mem>> -> memref<!tpu.dma_semaphore, #tpu.memory_space<semaphore_mem>>
    tpu.enqueue_indirect_dma source(%dma_start3A_334 : memref<253952x128xf32, #tpu.memory_space<hbm>>) target(%dma_start3A_328 : memref<128x128xf32, #tpu.memory_space<vmem>>) offsets(%dma_start3A_331 : memref<128xi32, #tpu.memory_space<vmem>>) semaphore(%dma_start3A_336 : memref<!tpu.dma_semaphore, #tpu.memory_space<semaphore_mem>>)
    %dma_wait3A_337 = arith.constant 1 : i32
    %dma_wait3A_338 = arith.constant 2 : i32
    %dma_wait3A_339 = arith.constant 2 : i32
    %dma_wait3A_340 = arith.constant 0 : i32
    %dma_wait3A_341 = arith.constant 0 : i32
    %dma_wait3A_342 = tpu.memref_slice %arg14[%dma_wait3A_338, %dma_wait3A_340, %dma_wait3A_341] : memref<3x128x128xf32, #tpu.memory_space<vmem>> -> memref<1x128x128xf32, #tpu.memory_space<vmem>>
    %dma_wait3A_343 = tpu.memref_squeeze %dma_wait3A_342 : memref<1x128x128xf32, #tpu.memory_space<vmem>> -> memref<128x128xf32, #tpu.memory_space<vmem>>
    %dma_wait3A_344 = arith.constant 0 : i32
    %dma_wait3A_345 = tpu.memref_slice %arg13[%dma_wait3A_337, %dma_wait3A_344] : memref<4x128xi32, #tpu.memory_space<vmem>> -> memref<1x128xi32, #tpu.memory_space<vmem>>
    %dma_wait3A_346 = tpu.memref_squeeze %dma_wait3A_345 : memref<1x128xi32, #tpu.memory_space<vmem>> -> memref<128xi32, #tpu.memory_space<vmem>>
    %dma_wait3A_347 = arith.constant 0 : i32
    %dma_wait3A_348 = arith.constant 0 : i32
    %dma_wait3A_349 = tpu.memref_slice %arg5[%dma_wait3A_347, %dma_wait3A_348] : memref<253952x128xf32, #tpu.memory_space<hbm>> -> memref<253952x128xf32, #tpu.memory_space<hbm>>
    %dma_wait3A_350 = tpu.memref_slice %arg15[%dma_wait3A_339] : memref<3x!tpu.dma_semaphore, #tpu.memory_space<semaphore_mem>> -> memref<1x!tpu.dma_semaphore, #tpu.memory_space<semaphore_mem>>
    %dma_wait3A_351 = tpu.memref_squeeze %dma_wait3A_350 : memref<1x!tpu.dma_semaphore, #tpu.memory_space<semaphore_mem>> -> memref<!tpu.dma_semaphore, #tpu.memory_space<semaphore_mem>>
    tpu.wait_indirect_dma semaphore(%dma_wait3A_351 : memref<!tpu.dma_semaphore, #tpu.memory_space<semaphore_mem>>) src(%dma_wait3A_349 : memref<253952x128xf32, #tpu.memory_space<hbm>>) dst(%dma_wait3A_343 : memref<128x128xf32, #tpu.memory_space<vmem>>)
    %add3A_352 = arith.constant 128 : i32
    %add3A_353 = arith.addi %mul3A_4, %add3A_352 : i32
    %dma_start3A_354 = arith.constant 2 : i32
    %dma_start3A_355 = arith.constant 2 : i32
    %dma_start3A_356 = arith.constant 0 : i32
    %dma_start3A_357 = arith.constant 0 : i32
    %dma_start3A_358 = tpu.memref_slice %arg14[%dma_start3A_354, %dma_start3A_356, %dma_start3A_357] : memref<3x128x128xf32, #tpu.memory_space<vmem>> -> memref<1x128x128xf32, #tpu.memory_space<vmem>>
    %dma_start3A_359 = tpu.memref_squeeze %dma_start3A_358 : memref<1x128x128xf32, #tpu.memory_space<vmem>> -> memref<128x128xf32, #tpu.memory_space<vmem>>
    %dma_start3A_360 = arith.constant 0 : i32
    %dma_start3A_361 = tpu.memref_slice %arg9[%add3A_353, %dma_start3A_360] : memref<16384x128xf32, #tpu.memory_space<hbm>> -> memref<128x128xf32, #tpu.memory_space<hbm>>
    %dma_start3A_362 = tpu.memref_slice %arg16[%dma_start3A_355] : memref<3x!tpu.dma_semaphore, #tpu.memory_space<semaphore_mem>> -> memref<1x!tpu.dma_semaphore, #tpu.memory_space<semaphore_mem>>
    %dma_start3A_363 = tpu.memref_squeeze %dma_start3A_362 : memref<1x!tpu.dma_semaphore, #tpu.memory_space<semaphore_mem>> -> memref<!tpu.dma_semaphore, #tpu.memory_space<semaphore_mem>>
    %dma_start3A_364 = arith.constant 0 : i32
    %dma_start3A_365 = tpu.memref_slice %arg9[%add3A_353, %dma_start3A_364] : memref<16384x128xf32, #tpu.memory_space<hbm>> -> memref<128x128xf32, #tpu.memory_space<hbm>>
    %dma_start3A_366 = arith.constant 0 : i32
    %dma_start3A_367 = arith.constant 0 : i32
    %dma_start3A_368 = tpu.memref_slice %arg14[%dma_start3A_354, %dma_start3A_366, %dma_start3A_367] : memref<3x128x128xf32, #tpu.memory_space<vmem>> -> memref<1x128x128xf32, #tpu.memory_space<vmem>>
    %dma_start3A_369 = tpu.memref_squeeze %dma_start3A_368 : memref<1x128x128xf32, #tpu.memory_space<vmem>> -> memref<128x128xf32, #tpu.memory_space<vmem>>
    tpu.enqueue_dma source(%dma_start3A_369 : memref<128x128xf32, #tpu.memory_space<vmem>>) target(%dma_start3A_365 : memref<128x128xf32, #tpu.memory_space<hbm>>) target_semaphore(%dma_start3A_363 : memref<!tpu.dma_semaphore, #tpu.memory_space<semaphore_mem>>)
    %dma_wait3A_370 = arith.constant 1 : i32
    %dma_wait3A_371 = arith.constant 1 : i32
    %dma_wait3A_372 = arith.constant 0 : i32
    %dma_wait3A_373 = arith.constant 0 : i32
    %dma_wait3A_374 = tpu.memref_slice %arg14[%dma_wait3A_370, %dma_wait3A_372, %dma_wait3A_373] : memref<3x128x128xf32, #tpu.memory_space<vmem>> -> memref<1x128x128xf32, #tpu.memory_space<vmem>>
    %dma_wait3A_375 = tpu.memref_squeeze %dma_wait3A_374 : memref<1x128x128xf32, #tpu.memory_space<vmem>> -> memref<128x128xf32, #tpu.memory_space<vmem>>
    %dma_wait3A_376 = arith.constant 0 : i32
    %dma_wait3A_377 = tpu.memref_slice %arg9[%add3A_289, %dma_wait3A_376] : memref<16384x128xf32, #tpu.memory_space<hbm>> -> memref<128x128xf32, #tpu.memory_space<hbm>>
    %dma_wait3A_378 = tpu.memref_slice %arg16[%dma_wait3A_371] : memref<3x!tpu.dma_semaphore, #tpu.memory_space<semaphore_mem>> -> memref<1x!tpu.dma_semaphore, #tpu.memory_space<semaphore_mem>>
    %dma_wait3A_379 = tpu.memref_squeeze %dma_wait3A_378 : memref<1x!tpu.dma_semaphore, #tpu.memory_space<semaphore_mem>> -> memref<!tpu.dma_semaphore, #tpu.memory_space<semaphore_mem>>
    %dma_wait3A_380 = arith.constant 0 : i32
    %dma_wait3A_381 = tpu.memref_slice %arg9[%add3A_289, %dma_wait3A_380] : memref<16384x128xf32, #tpu.memory_space<hbm>> -> memref<128x128xf32, #tpu.memory_space<hbm>>
    %dma_wait3A_382 = arith.constant 0 : i32
    %dma_wait3A_383 = arith.constant 0 : i32
    %dma_wait3A_384 = tpu.memref_slice %arg14[%dma_wait3A_370, %dma_wait3A_382, %dma_wait3A_383] : memref<3x128x128xf32, #tpu.memory_space<vmem>> -> memref<1x128x128xf32, #tpu.memory_space<vmem>>
    %dma_wait3A_385 = tpu.memref_squeeze %dma_wait3A_384 : memref<1x128x128xf32, #tpu.memory_space<vmem>> -> memref<128x128xf32, #tpu.memory_space<vmem>>
    tpu.wait_dma2 semaphore(%dma_wait3A_379 : memref<!tpu.dma_semaphore, #tpu.memory_space<semaphore_mem>>) src(%dma_wait3A_385 : memref<128x128xf32, #tpu.memory_space<vmem>>) dst(%dma_wait3A_381 : memref<128x128xf32, #tpu.memory_space<hbm>>)
    %dma_start3A_386 = arith.constant 3 : i32
    %dma_start3A_387 = arith.constant 1 : i32
    %dma_start3A_388 = arith.constant 1 : i32
    %dma_start3A_389 = arith.constant 0 : i32
    %dma_start3A_390 = arith.constant 0 : i32
    %dma_start3A_391 = tpu.memref_slice %arg14[%dma_start3A_387, %dma_start3A_389, %dma_start3A_390] : memref<3x128x128xf32, #tpu.memory_space<vmem>> -> memref<1x128x128xf32, #tpu.memory_space<vmem>>
    %dma_start3A_392 = tpu.memref_squeeze %dma_start3A_391 : memref<1x128x128xf32, #tpu.memory_space<vmem>> -> memref<128x128xf32, #tpu.memory_space<vmem>>
    %dma_start3A_393 = arith.constant 0 : i32
    %dma_start3A_394 = tpu.memref_slice %arg13[%dma_start3A_386, %dma_start3A_393] : memref<4x128xi32, #tpu.memory_space<vmem>> -> memref<1x128xi32, #tpu.memory_space<vmem>>
    %dma_start3A_395 = tpu.memref_squeeze %dma_start3A_394 : memref<1x128xi32, #tpu.memory_space<vmem>> -> memref<128xi32, #tpu.memory_space<vmem>>
    %dma_start3A_396 = arith.constant 0 : i32
    %dma_start3A_397 = arith.constant 0 : i32
    %dma_start3A_398 = tpu.memref_slice %arg5[%dma_start3A_396, %dma_start3A_397] : memref<253952x128xf32, #tpu.memory_space<hbm>> -> memref<253952x128xf32, #tpu.memory_space<hbm>>
    %dma_start3A_399 = tpu.memref_slice %arg15[%dma_start3A_388] : memref<3x!tpu.dma_semaphore, #tpu.memory_space<semaphore_mem>> -> memref<1x!tpu.dma_semaphore, #tpu.memory_space<semaphore_mem>>
    %dma_start3A_400 = tpu.memref_squeeze %dma_start3A_399 : memref<1x!tpu.dma_semaphore, #tpu.memory_space<semaphore_mem>> -> memref<!tpu.dma_semaphore, #tpu.memory_space<semaphore_mem>>
    tpu.enqueue_indirect_dma source(%dma_start3A_398 : memref<253952x128xf32, #tpu.memory_space<hbm>>) target(%dma_start3A_392 : memref<128x128xf32, #tpu.memory_space<vmem>>) offsets(%dma_start3A_395 : memref<128xi32, #tpu.memory_space<vmem>>) semaphore(%dma_start3A_400 : memref<!tpu.dma_semaphore, #tpu.memory_space<semaphore_mem>>)
    %dma_wait3A_401 = arith.constant 2 : i32
    %dma_wait3A_402 = arith.constant 0 : i32
    %dma_wait3A_403 = arith.constant 0 : i32
    %dma_wait3A_404 = arith.constant 0 : i32
    %dma_wait3A_405 = arith.constant 0 : i32
    %dma_wait3A_406 = tpu.memref_slice %arg14[%dma_wait3A_402, %dma_wait3A_404, %dma_wait3A_405] : memref<3x128x128xf32, #tpu.memory_space<vmem>> -> memref<1x128x128xf32, #tpu.memory_space<vmem>>
    %dma_wait3A_407 = tpu.memref_squeeze %dma_wait3A_406 : memref<1x128x128xf32, #tpu.memory_space<vmem>> -> memref<128x128xf32, #tpu.memory_space<vmem>>
    %dma_wait3A_408 = arith.constant 0 : i32
    %dma_wait3A_409 = tpu.memref_slice %arg13[%dma_wait3A_401, %dma_wait3A_408] : memref<4x128xi32, #tpu.memory_space<vmem>> -> memref<1x128xi32, #tpu.memory_space<vmem>>
    %dma_wait3A_410 = tpu.memref_squeeze %dma_wait3A_409 : memref<1x128xi32, #tpu.memory_space<vmem>> -> memref<128xi32, #tpu.memory_space<vmem>>
    %dma_wait3A_411 = arith.constant 0 : i32
    %dma_wait3A_412 = arith.constant 0 : i32
    %dma_wait3A_413 = tpu.memref_slice %arg5[%dma_wait3A_411, %dma_wait3A_412] : memref<253952x128xf32, #tpu.memory_space<hbm>> -> memref<253952x128xf32, #tpu.memory_space<hbm>>
    %dma_wait3A_414 = tpu.memref_slice %arg15[%dma_wait3A_403] : memref<3x!tpu.dma_semaphore, #tpu.memory_space<semaphore_mem>> -> memref<1x!tpu.dma_semaphore, #tpu.memory_space<semaphore_mem>>
    %dma_wait3A_415 = tpu.memref_squeeze %dma_wait3A_414 : memref<1x!tpu.dma_semaphore, #tpu.memory_space<semaphore_mem>> -> memref<!tpu.dma_semaphore, #tpu.memory_space<semaphore_mem>>
    tpu.wait_indirect_dma semaphore(%dma_wait3A_415 : memref<!tpu.dma_semaphore, #tpu.memory_space<semaphore_mem>>) src(%dma_wait3A_413 : memref<253952x128xf32, #tpu.memory_space<hbm>>) dst(%dma_wait3A_407 : memref<128x128xf32, #tpu.memory_space<vmem>>)
    %add3A_416 = arith.constant 256 : i32
    %add3A_417 = arith.addi %mul3A_4, %add3A_416 : i32
    %dma_start3A_418 = arith.constant 0 : i32
    %dma_start3A_419 = arith.constant 0 : i32
    %dma_start3A_420 = arith.constant 0 : i32
    %dma_start3A_421 = arith.constant 0 : i32
    %dma_start3A_422 = tpu.memref_slice %arg14[%dma_start3A_418, %dma_start3A_420, %dma_start3A_421] : memref<3x128x128xf32, #tpu.memory_space<vmem>> -> memref<1x128x128xf32, #tpu.memory_space<vmem>>
    %dma_start3A_423 = tpu.memref_squeeze %dma_start3A_422 : memref<1x128x128xf32, #tpu.memory_space<vmem>> -> memref<128x128xf32, #tpu.memory_space<vmem>>
    %dma_start3A_424 = arith.constant 0 : i32
    %dma_start3A_425 = tpu.memref_slice %arg9[%add3A_417, %dma_start3A_424] : memref<16384x128xf32, #tpu.memory_space<hbm>> -> memref<128x128xf32, #tpu.memory_space<hbm>>
    %dma_start3A_426 = tpu.memref_slice %arg16[%dma_start3A_419] : memref<3x!tpu.dma_semaphore, #tpu.memory_space<semaphore_mem>> -> memref<1x!tpu.dma_semaphore, #tpu.memory_space<semaphore_mem>>
    %dma_start3A_427 = tpu.memref_squeeze %dma_start3A_426 : memref<1x!tpu.dma_semaphore, #tpu.memory_space<semaphore_mem>> -> memref<!tpu.dma_semaphore, #tpu.memory_space<semaphore_mem>>
    %dma_start3A_428 = arith.constant 0 : i32
    %dma_start3A_429 = tpu.memref_slice %arg9[%add3A_417, %dma_start3A_428] : memref<16384x128xf32, #tpu.memory_space<hbm>> -> memref<128x128xf32, #tpu.memory_space<hbm>>
    %dma_start3A_430 = arith.constant 0 : i32
    %dma_start3A_431 = arith.constant 0 : i32
    %dma_start3A_432 = tpu.memref_slice %arg14[%dma_start3A_418, %dma_start3A_430, %dma_start3A_431] : memref<3x128x128xf32, #tpu.memory_space<vmem>> -> memref<1x128x128xf32, #tpu.memory_space<vmem>>
    %dma_start3A_433 = tpu.memref_squeeze %dma_start3A_432 : memref<1x128x128xf32, #tpu.memory_space<vmem>> -> memref<128x128xf32, #tpu.memory_space<vmem>>
    tpu.enqueue_dma source(%dma_start3A_433 : memref<128x128xf32, #tpu.memory_space<vmem>>) target(%dma_start3A_429 : memref<128x128xf32, #tpu.memory_space<hbm>>) target_semaphore(%dma_start3A_427 : memref<!tpu.dma_semaphore, #tpu.memory_space<semaphore_mem>>)
    %dma_wait3A_434 = arith.constant 2 : i32
    %dma_wait3A_435 = arith.constant 2 : i32
    %dma_wait3A_436 = arith.constant 0 : i32
    %dma_wait3A_437 = arith.constant 0 : i32
    %dma_wait3A_438 = tpu.memref_slice %arg14[%dma_wait3A_434, %dma_wait3A_436, %dma_wait3A_437] : memref<3x128x128xf32, #tpu.memory_space<vmem>> -> memref<1x128x128xf32, #tpu.memory_space<vmem>>
    %dma_wait3A_439 = tpu.memref_squeeze %dma_wait3A_438 : memref<1x128x128xf32, #tpu.memory_space<vmem>> -> memref<128x128xf32, #tpu.memory_space<vmem>>
    %dma_wait3A_440 = arith.constant 0 : i32
    %dma_wait3A_441 = tpu.memref_slice %arg9[%add3A_353, %dma_wait3A_440] : memref<16384x128xf32, #tpu.memory_space<hbm>> -> memref<128x128xf32, #tpu.memory_space<hbm>>
    %dma_wait3A_442 = tpu.memref_slice %arg16[%dma_wait3A_435] : memref<3x!tpu.dma_semaphore, #tpu.memory_space<semaphore_mem>> -> memref<1x!tpu.dma_semaphore, #tpu.memory_space<semaphore_mem>>
    %dma_wait3A_443 = tpu.memref_squeeze %dma_wait3A_442 : memref<1x!tpu.dma_semaphore, #tpu.memory_space<semaphore_mem>> -> memref<!tpu.dma_semaphore, #tpu.memory_space<semaphore_mem>>
    %dma_wait3A_444 = arith.constant 0 : i32
    %dma_wait3A_445 = tpu.memref_slice %arg9[%add3A_353, %dma_wait3A_444] : memref<16384x128xf32, #tpu.memory_space<hbm>> -> memref<128x128xf32, #tpu.memory_space<hbm>>
    %dma_wait3A_446 = arith.constant 0 : i32
    %dma_wait3A_447 = arith.constant 0 : i32
    %dma_wait3A_448 = tpu.memref_slice %arg14[%dma_wait3A_434, %dma_wait3A_446, %dma_wait3A_447] : memref<3x128x128xf32, #tpu.memory_space<vmem>> -> memref<1x128x128xf32, #tpu.memory_space<vmem>>
    %dma_wait3A_449 = tpu.memref_squeeze %dma_wait3A_448 : memref<1x128x128xf32, #tpu.memory_space<vmem>> -> memref<128x128xf32, #tpu.memory_space<vmem>>
    tpu.wait_dma2 semaphore(%dma_wait3A_443 : memref<!tpu.dma_semaphore, #tpu.memory_space<semaphore_mem>>) src(%dma_wait3A_449 : memref<128x128xf32, #tpu.memory_space<vmem>>) dst(%dma_wait3A_445 : memref<128x128xf32, #tpu.memory_space<hbm>>)
    %dma_start3A_450 = arith.constant 0 : i32
    %dma_start3A_451 = arith.constant 2 : i32
    %dma_start3A_452 = arith.constant 2 : i32
    %dma_start3A_453 = arith.constant 0 : i32
    %dma_start3A_454 = arith.constant 0 : i32
    %dma_start3A_455 = tpu.memref_slice %arg14[%dma_start3A_451, %dma_start3A_453, %dma_start3A_454] : memref<3x128x128xf32, #tpu.memory_space<vmem>> -> memref<1x128x128xf32, #tpu.memory_space<vmem>>
    %dma_start3A_456 = tpu.memref_squeeze %dma_start3A_455 : memref<1x128x128xf32, #tpu.memory_space<vmem>> -> memref<128x128xf32, #tpu.memory_space<vmem>>
    %dma_start3A_457 = arith.constant 0 : i32
    %dma_start3A_458 = tpu.memref_slice %arg12[%dma_start3A_450, %dma_start3A_457] : memref<4x128xi32, #tpu.memory_space<vmem>> -> memref<1x128xi32, #tpu.memory_space<vmem>>
    %dma_start3A_459 = tpu.memref_squeeze %dma_start3A_458 : memref<1x128xi32, #tpu.memory_space<vmem>> -> memref<128xi32, #tpu.memory_space<vmem>>
    %dma_start3A_460 = arith.constant 0 : i32
    %dma_start3A_461 = arith.constant 0 : i32
    %dma_start3A_462 = tpu.memref_slice %arg6[%dma_start3A_460, %dma_start3A_461] : memref<253952x128xf32, #tpu.memory_space<hbm>> -> memref<253952x128xf32, #tpu.memory_space<hbm>>
    %dma_start3A_463 = tpu.memref_slice %arg15[%dma_start3A_452] : memref<3x!tpu.dma_semaphore, #tpu.memory_space<semaphore_mem>> -> memref<1x!tpu.dma_semaphore, #tpu.memory_space<semaphore_mem>>
    %dma_start3A_464 = tpu.memref_squeeze %dma_start3A_463 : memref<1x!tpu.dma_semaphore, #tpu.memory_space<semaphore_mem>> -> memref<!tpu.dma_semaphore, #tpu.memory_space<semaphore_mem>>
    tpu.enqueue_indirect_dma source(%dma_start3A_462 : memref<253952x128xf32, #tpu.memory_space<hbm>>) target(%dma_start3A_456 : memref<128x128xf32, #tpu.memory_space<vmem>>) offsets(%dma_start3A_459 : memref<128xi32, #tpu.memory_space<vmem>>) semaphore(%dma_start3A_464 : memref<!tpu.dma_semaphore, #tpu.memory_space<semaphore_mem>>)
    %dma_wait3A_465 = arith.constant 3 : i32
    %dma_wait3A_466 = arith.constant 1 : i32
    %dma_wait3A_467 = arith.constant 1 : i32
    %dma_wait3A_468 = arith.constant 0 : i32
    %dma_wait3A_469 = arith.constant 0 : i32
    %dma_wait3A_470 = tpu.memref_slice %arg14[%dma_wait3A_466, %dma_wait3A_468, %dma_wait3A_469] : memref<3x128x128xf32, #tpu.memory_space<vmem>> -> memref<1x128x128xf32, #tpu.memory_space<vmem>>
    %dma_wait3A_471 = tpu.memref_squeeze %dma_wait3A_470 : memref<1x128x128xf32, #tpu.memory_space<vmem>> -> memref<128x128xf32, #tpu.memory_space<vmem>>
    %dma_wait3A_472 = arith.constant 0 : i32
    %dma_wait3A_473 = tpu.memref_slice %arg13[%dma_wait3A_465, %dma_wait3A_472] : memref<4x128xi32, #tpu.memory_space<vmem>> -> memref<1x128xi32, #tpu.memory_space<vmem>>
    %dma_wait3A_474 = tpu.memref_squeeze %dma_wait3A_473 : memref<1x128xi32, #tpu.memory_space<vmem>> -> memref<128xi32, #tpu.memory_space<vmem>>
    %dma_wait3A_475 = arith.constant 0 : i32
    %dma_wait3A_476 = arith.constant 0 : i32
    %dma_wait3A_477 = tpu.memref_slice %arg5[%dma_wait3A_475, %dma_wait3A_476] : memref<253952x128xf32, #tpu.memory_space<hbm>> -> memref<253952x128xf32, #tpu.memory_space<hbm>>
    %dma_wait3A_478 = tpu.memref_slice %arg15[%dma_wait3A_467] : memref<3x!tpu.dma_semaphore, #tpu.memory_space<semaphore_mem>> -> memref<1x!tpu.dma_semaphore, #tpu.memory_space<semaphore_mem>>
    %dma_wait3A_479 = tpu.memref_squeeze %dma_wait3A_478 : memref<1x!tpu.dma_semaphore, #tpu.memory_space<semaphore_mem>> -> memref<!tpu.dma_semaphore, #tpu.memory_space<semaphore_mem>>
    tpu.wait_indirect_dma semaphore(%dma_wait3A_479 : memref<!tpu.dma_semaphore, #tpu.memory_space<semaphore_mem>>) src(%dma_wait3A_477 : memref<253952x128xf32, #tpu.memory_space<hbm>>) dst(%dma_wait3A_471 : memref<128x128xf32, #tpu.memory_space<vmem>>)
    %add3A_480 = arith.constant 384 : i32
    %add3A_481 = arith.addi %mul3A_4, %add3A_480 : i32
    %dma_start3A_482 = arith.constant 1 : i32
    %dma_start3A_483 = arith.constant 1 : i32
    %dma_start3A_484 = arith.constant 0 : i32
    %dma_start3A_485 = arith.constant 0 : i32
    %dma_start3A_486 = tpu.memref_slice %arg14[%dma_start3A_482, %dma_start3A_484, %dma_start3A_485] : memref<3x128x128xf32, #tpu.memory_space<vmem>> -> memref<1x128x128xf32, #tpu.memory_space<vmem>>
    %dma_start3A_487 = tpu.memref_squeeze %dma_start3A_486 : memref<1x128x128xf32, #tpu.memory_space<vmem>> -> memref<128x128xf32, #tpu.memory_space<vmem>>
    %dma_start3A_488 = arith.constant 0 : i32
    %dma_start3A_489 = tpu.memref_slice %arg9[%add3A_481, %dma_start3A_488] : memref<16384x128xf32, #tpu.memory_space<hbm>> -> memref<128x128xf32, #tpu.memory_space<hbm>>
    %dma_start3A_490 = tpu.memref_slice %arg16[%dma_start3A_483] : memref<3x!tpu.dma_semaphore, #tpu.memory_space<semaphore_mem>> -> memref<1x!tpu.dma_semaphore, #tpu.memory_space<semaphore_mem>>
    %dma_start3A_491 = tpu.memref_squeeze %dma_start3A_490 : memref<1x!tpu.dma_semaphore, #tpu.memory_space<semaphore_mem>> -> memref<!tpu.dma_semaphore, #tpu.memory_space<semaphore_mem>>
    %dma_start3A_492 = arith.constant 0 : i32
    %dma_start3A_493 = tpu.memref_slice %arg9[%add3A_481, %dma_start3A_492] : memref<16384x128xf32, #tpu.memory_space<hbm>> -> memref<128x128xf32, #tpu.memory_space<hbm>>
    %dma_start3A_494 = arith.constant 0 : i32
    %dma_start3A_495 = arith.constant 0 : i32
    %dma_start3A_496 = tpu.memref_slice %arg14[%dma_start3A_482, %dma_start3A_494, %dma_start3A_495] : memref<3x128x128xf32, #tpu.memory_space<vmem>> -> memref<1x128x128xf32, #tpu.memory_space<vmem>>
    %dma_start3A_497 = tpu.memref_squeeze %dma_start3A_496 : memref<1x128x128xf32, #tpu.memory_space<vmem>> -> memref<128x128xf32, #tpu.memory_space<vmem>>
    tpu.enqueue_dma source(%dma_start3A_497 : memref<128x128xf32, #tpu.memory_space<vmem>>) target(%dma_start3A_493 : memref<128x128xf32, #tpu.memory_space<hbm>>) target_semaphore(%dma_start3A_491 : memref<!tpu.dma_semaphore, #tpu.memory_space<semaphore_mem>>)
    %dma_wait3A_498 = arith.constant 0 : i32
    %dma_wait3A_499 = arith.constant 0 : i32
    %dma_wait3A_500 = arith.constant 0 : i32
    %dma_wait3A_501 = arith.constant 0 : i32
    %dma_wait3A_502 = tpu.memref_slice %arg14[%dma_wait3A_498, %dma_wait3A_500, %dma_wait3A_501] : memref<3x128x128xf32, #tpu.memory_space<vmem>> -> memref<1x128x128xf32, #tpu.memory_space<vmem>>
    %dma_wait3A_503 = tpu.memref_squeeze %dma_wait3A_502 : memref<1x128x128xf32, #tpu.memory_space<vmem>> -> memref<128x128xf32, #tpu.memory_space<vmem>>
    %dma_wait3A_504 = arith.constant 0 : i32
    %dma_wait3A_505 = tpu.memref_slice %arg9[%add3A_417, %dma_wait3A_504] : memref<16384x128xf32, #tpu.memory_space<hbm>> -> memref<128x128xf32, #tpu.memory_space<hbm>>
    %dma_wait3A_506 = tpu.memref_slice %arg16[%dma_wait3A_499] : memref<3x!tpu.dma_semaphore, #tpu.memory_space<semaphore_mem>> -> memref<1x!tpu.dma_semaphore, #tpu.memory_space<semaphore_mem>>
    %dma_wait3A_507 = tpu.memref_squeeze %dma_wait3A_506 : memref<1x!tpu.dma_semaphore, #tpu.memory_space<semaphore_mem>> -> memref<!tpu.dma_semaphore, #tpu.memory_space<semaphore_mem>>
    %dma_wait3A_508 = arith.constant 0 : i32
    %dma_wait3A_509 = tpu.memref_slice %arg9[%add3A_417, %dma_wait3A_508] : memref<16384x128xf32, #tpu.memory_space<hbm>> -> memref<128x128xf32, #tpu.memory_space<hbm>>
    %dma_wait3A_510 = arith.constant 0 : i32
    %dma_wait3A_511 = arith.constant 0 : i32
    %dma_wait3A_512 = tpu.memref_slice %arg14[%dma_wait3A_498, %dma_wait3A_510, %dma_wait3A_511] : memref<3x128x128xf32, #tpu.memory_space<vmem>> -> memref<1x128x128xf32, #tpu.memory_space<vmem>>
    %dma_wait3A_513 = tpu.memref_squeeze %dma_wait3A_512 : memref<1x128x128xf32, #tpu.memory_space<vmem>> -> memref<128x128xf32, #tpu.memory_space<vmem>>
    tpu.wait_dma2 semaphore(%dma_wait3A_507 : memref<!tpu.dma_semaphore, #tpu.memory_space<semaphore_mem>>) src(%dma_wait3A_513 : memref<128x128xf32, #tpu.memory_space<vmem>>) dst(%dma_wait3A_509 : memref<128x128xf32, #tpu.memory_space<hbm>>)
    %dma_start3A_514 = arith.constant 1 : i32
    %dma_start3A_515 = arith.constant 0 : i32
    %dma_start3A_516 = arith.constant 0 : i32
    %dma_start3A_517 = arith.constant 0 : i32
    %dma_start3A_518 = arith.constant 0 : i32
    %dma_start3A_519 = tpu.memref_slice %arg14[%dma_start3A_515, %dma_start3A_517, %dma_start3A_518] : memref<3x128x128xf32, #tpu.memory_space<vmem>> -> memref<1x128x128xf32, #tpu.memory_space<vmem>>
    %dma_start3A_520 = tpu.memref_squeeze %dma_start3A_519 : memref<1x128x128xf32, #tpu.memory_space<vmem>> -> memref<128x128xf32, #tpu.memory_space<vmem>>
    %dma_start3A_521 = arith.constant 0 : i32
    %dma_start3A_522 = tpu.memref_slice %arg12[%dma_start3A_514, %dma_start3A_521] : memref<4x128xi32, #tpu.memory_space<vmem>> -> memref<1x128xi32, #tpu.memory_space<vmem>>
    %dma_start3A_523 = tpu.memref_squeeze %dma_start3A_522 : memref<1x128xi32, #tpu.memory_space<vmem>> -> memref<128xi32, #tpu.memory_space<vmem>>
    %dma_start3A_524 = arith.constant 0 : i32
    %dma_start3A_525 = arith.constant 0 : i32
    %dma_start3A_526 = tpu.memref_slice %arg6[%dma_start3A_524, %dma_start3A_525] : memref<253952x128xf32, #tpu.memory_space<hbm>> -> memref<253952x128xf32, #tpu.memory_space<hbm>>
    %dma_start3A_527 = tpu.memref_slice %arg15[%dma_start3A_516] : memref<3x!tpu.dma_semaphore, #tpu.memory_space<semaphore_mem>> -> memref<1x!tpu.dma_semaphore, #tpu.memory_space<semaphore_mem>>
    %dma_start3A_528 = tpu.memref_squeeze %dma_start3A_527 : memref<1x!tpu.dma_semaphore, #tpu.memory_space<semaphore_mem>> -> memref<!tpu.dma_semaphore, #tpu.memory_space<semaphore_mem>>
    tpu.enqueue_indirect_dma source(%dma_start3A_526 : memref<253952x128xf32, #tpu.memory_space<hbm>>) target(%dma_start3A_520 : memref<128x128xf32, #tpu.memory_space<vmem>>) offsets(%dma_start3A_523 : memref<128xi32, #tpu.memory_space<vmem>>) semaphore(%dma_start3A_528 : memref<!tpu.dma_semaphore, #tpu.memory_space<semaphore_mem>>)
    %dma_wait3A_529 = arith.constant 0 : i32
    %dma_wait3A_530 = arith.constant 2 : i32
    %dma_wait3A_531 = arith.constant 2 : i32
    %dma_wait3A_532 = arith.constant 0 : i32
    %dma_wait3A_533 = arith.constant 0 : i32
    %dma_wait3A_534 = tpu.memref_slice %arg14[%dma_wait3A_530, %dma_wait3A_532, %dma_wait3A_533] : memref<3x128x128xf32, #tpu.memory_space<vmem>> -> memref<1x128x128xf32, #tpu.memory_space<vmem>>
    %dma_wait3A_535 = tpu.memref_squeeze %dma_wait3A_534 : memref<1x128x128xf32, #tpu.memory_space<vmem>> -> memref<128x128xf32, #tpu.memory_space<vmem>>
    %dma_wait3A_536 = arith.constant 0 : i32
    %dma_wait3A_537 = tpu.memref_slice %arg12[%dma_wait3A_529, %dma_wait3A_536] : memref<4x128xi32, #tpu.memory_space<vmem>> -> memref<1x128xi32, #tpu.memory_space<vmem>>
    %dma_wait3A_538 = tpu.memref_squeeze %dma_wait3A_537 : memref<1x128xi32, #tpu.memory_space<vmem>> -> memref<128xi32, #tpu.memory_space<vmem>>
    %dma_wait3A_539 = arith.constant 0 : i32
    %dma_wait3A_540 = arith.constant 0 : i32
    %dma_wait3A_541 = tpu.memref_slice %arg6[%dma_wait3A_539, %dma_wait3A_540] : memref<253952x128xf32, #tpu.memory_space<hbm>> -> memref<253952x128xf32, #tpu.memory_space<hbm>>
    %dma_wait3A_542 = tpu.memref_slice %arg15[%dma_wait3A_531] : memref<3x!tpu.dma_semaphore, #tpu.memory_space<semaphore_mem>> -> memref<1x!tpu.dma_semaphore, #tpu.memory_space<semaphore_mem>>
    %dma_wait3A_543 = tpu.memref_squeeze %dma_wait3A_542 : memref<1x!tpu.dma_semaphore, #tpu.memory_space<semaphore_mem>> -> memref<!tpu.dma_semaphore, #tpu.memory_space<semaphore_mem>>
    tpu.wait_indirect_dma semaphore(%dma_wait3A_543 : memref<!tpu.dma_semaphore, #tpu.memory_space<semaphore_mem>>) src(%dma_wait3A_541 : memref<253952x128xf32, #tpu.memory_space<hbm>>) dst(%dma_wait3A_535 : memref<128x128xf32, #tpu.memory_space<vmem>>)
    %add3A_544 = arith.constant 0 : i32
    %add3A_545 = arith.addi %mul3A_4, %add3A_544 : i32
    %dma_start3A_546 = arith.constant 2 : i32
    %dma_start3A_547 = arith.constant 2 : i32
    %dma_start3A_548 = arith.constant 0 : i32
    %dma_start3A_549 = arith.constant 0 : i32
    %dma_start3A_550 = tpu.memref_slice %arg14[%dma_start3A_546, %dma_start3A_548, %dma_start3A_549] : memref<3x128x128xf32, #tpu.memory_space<vmem>> -> memref<1x128x128xf32, #tpu.memory_space<vmem>>
    %dma_start3A_551 = tpu.memref_squeeze %dma_start3A_550 : memref<1x128x128xf32, #tpu.memory_space<vmem>> -> memref<128x128xf32, #tpu.memory_space<vmem>>
    %dma_start3A_552 = arith.constant 0 : i32
    %dma_start3A_553 = tpu.memref_slice %arg10[%add3A_545, %dma_start3A_552] : memref<16384x128xf32, #tpu.memory_space<hbm>> -> memref<128x128xf32, #tpu.memory_space<hbm>>
    %dma_start3A_554 = tpu.memref_slice %arg16[%dma_start3A_547] : memref<3x!tpu.dma_semaphore, #tpu.memory_space<semaphore_mem>> -> memref<1x!tpu.dma_semaphore, #tpu.memory_space<semaphore_mem>>
    %dma_start3A_555 = tpu.memref_squeeze %dma_start3A_554 : memref<1x!tpu.dma_semaphore, #tpu.memory_space<semaphore_mem>> -> memref<!tpu.dma_semaphore, #tpu.memory_space<semaphore_mem>>
    %dma_start3A_556 = arith.constant 0 : i32
    %dma_start3A_557 = tpu.memref_slice %arg10[%add3A_545, %dma_start3A_556] : memref<16384x128xf32, #tpu.memory_space<hbm>> -> memref<128x128xf32, #tpu.memory_space<hbm>>
    %dma_start3A_558 = arith.constant 0 : i32
    %dma_start3A_559 = arith.constant 0 : i32
    %dma_start3A_560 = tpu.memref_slice %arg14[%dma_start3A_546, %dma_start3A_558, %dma_start3A_559] : memref<3x128x128xf32, #tpu.memory_space<vmem>> -> memref<1x128x128xf32, #tpu.memory_space<vmem>>
    %dma_start3A_561 = tpu.memref_squeeze %dma_start3A_560 : memref<1x128x128xf32, #tpu.memory_space<vmem>> -> memref<128x128xf32, #tpu.memory_space<vmem>>
    tpu.enqueue_dma source(%dma_start3A_561 : memref<128x128xf32, #tpu.memory_space<vmem>>) target(%dma_start3A_557 : memref<128x128xf32, #tpu.memory_space<hbm>>) target_semaphore(%dma_start3A_555 : memref<!tpu.dma_semaphore, #tpu.memory_space<semaphore_mem>>)
    %dma_wait3A_562 = arith.constant 1 : i32
    %dma_wait3A_563 = arith.constant 1 : i32
    %dma_wait3A_564 = arith.constant 0 : i32
    %dma_wait3A_565 = arith.constant 0 : i32
    %dma_wait3A_566 = tpu.memref_slice %arg14[%dma_wait3A_562, %dma_wait3A_564, %dma_wait3A_565] : memref<3x128x128xf32, #tpu.memory_space<vmem>> -> memref<1x128x128xf32, #tpu.memory_space<vmem>>
    %dma_wait3A_567 = tpu.memref_squeeze %dma_wait3A_566 : memref<1x128x128xf32, #tpu.memory_space<vmem>> -> memref<128x128xf32, #tpu.memory_space<vmem>>
    %dma_wait3A_568 = arith.constant 0 : i32
    %dma_wait3A_569 = tpu.memref_slice %arg9[%add3A_481, %dma_wait3A_568] : memref<16384x128xf32, #tpu.memory_space<hbm>> -> memref<128x128xf32, #tpu.memory_space<hbm>>
    %dma_wait3A_570 = tpu.memref_slice %arg16[%dma_wait3A_563] : memref<3x!tpu.dma_semaphore, #tpu.memory_space<semaphore_mem>> -> memref<1x!tpu.dma_semaphore, #tpu.memory_space<semaphore_mem>>
    %dma_wait3A_571 = tpu.memref_squeeze %dma_wait3A_570 : memref<1x!tpu.dma_semaphore, #tpu.memory_space<semaphore_mem>> -> memref<!tpu.dma_semaphore, #tpu.memory_space<semaphore_mem>>
    %dma_wait3A_572 = arith.constant 0 : i32
    %dma_wait3A_573 = tpu.memref_slice %arg9[%add3A_481, %dma_wait3A_572] : memref<16384x128xf32, #tpu.memory_space<hbm>> -> memref<128x128xf32, #tpu.memory_space<hbm>>
    %dma_wait3A_574 = arith.constant 0 : i32
    %dma_wait3A_575 = arith.constant 0 : i32
    %dma_wait3A_576 = tpu.memref_slice %arg14[%dma_wait3A_562, %dma_wait3A_574, %dma_wait3A_575] : memref<3x128x128xf32, #tpu.memory_space<vmem>> -> memref<1x128x128xf32, #tpu.memory_space<vmem>>
    %dma_wait3A_577 = tpu.memref_squeeze %dma_wait3A_576 : memref<1x128x128xf32, #tpu.memory_space<vmem>> -> memref<128x128xf32, #tpu.memory_space<vmem>>
    tpu.wait_dma2 semaphore(%dma_wait3A_571 : memref<!tpu.dma_semaphore, #tpu.memory_space<semaphore_mem>>) src(%dma_wait3A_577 : memref<128x128xf32, #tpu.memory_space<vmem>>) dst(%dma_wait3A_573 : memref<128x128xf32, #tpu.memory_space<hbm>>)
    %dma_start3A_578 = arith.constant 2 : i32
    %dma_start3A_579 = arith.constant 1 : i32
    %dma_start3A_580 = arith.constant 1 : i32
    %dma_start3A_581 = arith.constant 0 : i32
    %dma_start3A_582 = arith.constant 0 : i32
    %dma_start3A_583 = tpu.memref_slice %arg14[%dma_start3A_579, %dma_start3A_581, %dma_start3A_582] : memref<3x128x128xf32, #tpu.memory_space<vmem>> -> memref<1x128x128xf32, #tpu.memory_space<vmem>>
    %dma_start3A_584 = tpu.memref_squeeze %dma_start3A_583 : memref<1x128x128xf32, #tpu.memory_space<vmem>> -> memref<128x128xf32, #tpu.memory_space<vmem>>
    %dma_start3A_585 = arith.constant 0 : i32
    %dma_start3A_586 = tpu.memref_slice %arg12[%dma_start3A_578, %dma_start3A_585] : memref<4x128xi32, #tpu.memory_space<vmem>> -> memref<1x128xi32, #tpu.memory_space<vmem>>
    %dma_start3A_587 = tpu.memref_squeeze %dma_start3A_586 : memref<1x128xi32, #tpu.memory_space<vmem>> -> memref<128xi32, #tpu.memory_space<vmem>>
    %dma_start3A_588 = arith.constant 0 : i32
    %dma_start3A_589 = arith.constant 0 : i32
    %dma_start3A_590 = tpu.memref_slice %arg6[%dma_start3A_588, %dma_start3A_589] : memref<253952x128xf32, #tpu.memory_space<hbm>> -> memref<253952x128xf32, #tpu.memory_space<hbm>>
    %dma_start3A_591 = tpu.memref_slice %arg15[%dma_start3A_580] : memref<3x!tpu.dma_semaphore, #tpu.memory_space<semaphore_mem>> -> memref<1x!tpu.dma_semaphore, #tpu.memory_space<semaphore_mem>>
    %dma_start3A_592 = tpu.memref_squeeze %dma_start3A_591 : memref<1x!tpu.dma_semaphore, #tpu.memory_space<semaphore_mem>> -> memref<!tpu.dma_semaphore, #tpu.memory_space<semaphore_mem>>
    tpu.enqueue_indirect_dma source(%dma_start3A_590 : memref<253952x128xf32, #tpu.memory_space<hbm>>) target(%dma_start3A_584 : memref<128x128xf32, #tpu.memory_space<vmem>>) offsets(%dma_start3A_587 : memref<128xi32, #tpu.memory_space<vmem>>) semaphore(%dma_start3A_592 : memref<!tpu.dma_semaphore, #tpu.memory_space<semaphore_mem>>)
    %dma_wait3A_593 = arith.constant 1 : i32
    %dma_wait3A_594 = arith.constant 0 : i32
    %dma_wait3A_595 = arith.constant 0 : i32
    %dma_wait3A_596 = arith.constant 0 : i32
    %dma_wait3A_597 = arith.constant 0 : i32
    %dma_wait3A_598 = tpu.memref_slice %arg14[%dma_wait3A_594, %dma_wait3A_596, %dma_wait3A_597] : memref<3x128x128xf32, #tpu.memory_space<vmem>> -> memref<1x128x128xf32, #tpu.memory_space<vmem>>
    %dma_wait3A_599 = tpu.memref_squeeze %dma_wait3A_598 : memref<1x128x128xf32, #tpu.memory_space<vmem>> -> memref<128x128xf32, #tpu.memory_space<vmem>>
    %dma_wait3A_600 = arith.constant 0 : i32
    %dma_wait3A_601 = tpu.memref_slice %arg12[%dma_wait3A_593, %dma_wait3A_600] : memref<4x128xi32, #tpu.memory_space<vmem>> -> memref<1x128xi32, #tpu.memory_space<vmem>>
    %dma_wait3A_602 = tpu.memref_squeeze %dma_wait3A_601 : memref<1x128xi32, #tpu.memory_space<vmem>> -> memref<128xi32, #tpu.memory_space<vmem>>
    %dma_wait3A_603 = arith.constant 0 : i32
    %dma_wait3A_604 = arith.constant 0 : i32
    %dma_wait3A_605 = tpu.memref_slice %arg6[%dma_wait3A_603, %dma_wait3A_604] : memref<253952x128xf32, #tpu.memory_space<hbm>> -> memref<253952x128xf32, #tpu.memory_space<hbm>>
    %dma_wait3A_606 = tpu.memref_slice %arg15[%dma_wait3A_595] : memref<3x!tpu.dma_semaphore, #tpu.memory_space<semaphore_mem>> -> memref<1x!tpu.dma_semaphore, #tpu.memory_space<semaphore_mem>>
    %dma_wait3A_607 = tpu.memref_squeeze %dma_wait3A_606 : memref<1x!tpu.dma_semaphore, #tpu.memory_space<semaphore_mem>> -> memref<!tpu.dma_semaphore, #tpu.memory_space<semaphore_mem>>
    tpu.wait_indirect_dma semaphore(%dma_wait3A_607 : memref<!tpu.dma_semaphore, #tpu.memory_space<semaphore_mem>>) src(%dma_wait3A_605 : memref<253952x128xf32, #tpu.memory_space<hbm>>) dst(%dma_wait3A_599 : memref<128x128xf32, #tpu.memory_space<vmem>>)
    %add3A_608 = arith.constant 128 : i32
    %add3A_609 = arith.addi %mul3A_4, %add3A_608 : i32
    %dma_start3A_610 = arith.constant 0 : i32
    %dma_start3A_611 = arith.constant 0 : i32
    %dma_start3A_612 = arith.constant 0 : i32
    %dma_start3A_613 = arith.constant 0 : i32
    %dma_start3A_614 = tpu.memref_slice %arg14[%dma_start3A_610, %dma_start3A_612, %dma_start3A_613] : memref<3x128x128xf32, #tpu.memory_space<vmem>> -> memref<1x128x128xf32, #tpu.memory_space<vmem>>
    %dma_start3A_615 = tpu.memref_squeeze %dma_start3A_614 : memref<1x128x128xf32, #tpu.memory_space<vmem>> -> memref<128x128xf32, #tpu.memory_space<vmem>>
    %dma_start3A_616 = arith.constant 0 : i32
    %dma_start3A_617 = tpu.memref_slice %arg10[%add3A_609, %dma_start3A_616] : memref<16384x128xf32, #tpu.memory_space<hbm>> -> memref<128x128xf32, #tpu.memory_space<hbm>>
    %dma_start3A_618 = tpu.memref_slice %arg16[%dma_start3A_611] : memref<3x!tpu.dma_semaphore, #tpu.memory_space<semaphore_mem>> -> memref<1x!tpu.dma_semaphore, #tpu.memory_space<semaphore_mem>>
    %dma_start3A_619 = tpu.memref_squeeze %dma_start3A_618 : memref<1x!tpu.dma_semaphore, #tpu.memory_space<semaphore_mem>> -> memref<!tpu.dma_semaphore, #tpu.memory_space<semaphore_mem>>
    %dma_start3A_620 = arith.constant 0 : i32
    %dma_start3A_621 = tpu.memref_slice %arg10[%add3A_609, %dma_start3A_620] : memref<16384x128xf32, #tpu.memory_space<hbm>> -> memref<128x128xf32, #tpu.memory_space<hbm>>
    %dma_start3A_622 = arith.constant 0 : i32
    %dma_start3A_623 = arith.constant 0 : i32
    %dma_start3A_624 = tpu.memref_slice %arg14[%dma_start3A_610, %dma_start3A_622, %dma_start3A_623] : memref<3x128x128xf32, #tpu.memory_space<vmem>> -> memref<1x128x128xf32, #tpu.memory_space<vmem>>
    %dma_start3A_625 = tpu.memref_squeeze %dma_start3A_624 : memref<1x128x128xf32, #tpu.memory_space<vmem>> -> memref<128x128xf32, #tpu.memory_space<vmem>>
    tpu.enqueue_dma source(%dma_start3A_625 : memref<128x128xf32, #tpu.memory_space<vmem>>) target(%dma_start3A_621 : memref<128x128xf32, #tpu.memory_space<hbm>>) target_semaphore(%dma_start3A_619 : memref<!tpu.dma_semaphore, #tpu.memory_space<semaphore_mem>>)
    %dma_wait3A_626 = arith.constant 2 : i32
    %dma_wait3A_627 = arith.constant 2 : i32
    %dma_wait3A_628 = arith.constant 0 : i32
    %dma_wait3A_629 = arith.constant 0 : i32
    %dma_wait3A_630 = tpu.memref_slice %arg14[%dma_wait3A_626, %dma_wait3A_628, %dma_wait3A_629] : memref<3x128x128xf32, #tpu.memory_space<vmem>> -> memref<1x128x128xf32, #tpu.memory_space<vmem>>
    %dma_wait3A_631 = tpu.memref_squeeze %dma_wait3A_630 : memref<1x128x128xf32, #tpu.memory_space<vmem>> -> memref<128x128xf32, #tpu.memory_space<vmem>>
    %dma_wait3A_632 = arith.constant 0 : i32
    %dma_wait3A_633 = tpu.memref_slice %arg10[%add3A_545, %dma_wait3A_632] : memref<16384x128xf32, #tpu.memory_space<hbm>> -> memref<128x128xf32, #tpu.memory_space<hbm>>
    %dma_wait3A_634 = tpu.memref_slice %arg16[%dma_wait3A_627] : memref<3x!tpu.dma_semaphore, #tpu.memory_space<semaphore_mem>> -> memref<1x!tpu.dma_semaphore, #tpu.memory_space<semaphore_mem>>
    %dma_wait3A_635 = tpu.memref_squeeze %dma_wait3A_634 : memref<1x!tpu.dma_semaphore, #tpu.memory_space<semaphore_mem>> -> memref<!tpu.dma_semaphore, #tpu.memory_space<semaphore_mem>>
    %dma_wait3A_636 = arith.constant 0 : i32
    %dma_wait3A_637 = tpu.memref_slice %arg10[%add3A_545, %dma_wait3A_636] : memref<16384x128xf32, #tpu.memory_space<hbm>> -> memref<128x128xf32, #tpu.memory_space<hbm>>
    %dma_wait3A_638 = arith.constant 0 : i32
    %dma_wait3A_639 = arith.constant 0 : i32
    %dma_wait3A_640 = tpu.memref_slice %arg14[%dma_wait3A_626, %dma_wait3A_638, %dma_wait3A_639] : memref<3x128x128xf32, #tpu.memory_space<vmem>> -> memref<1x128x128xf32, #tpu.memory_space<vmem>>
    %dma_wait3A_641 = tpu.memref_squeeze %dma_wait3A_640 : memref<1x128x128xf32, #tpu.memory_space<vmem>> -> memref<128x128xf32, #tpu.memory_space<vmem>>
    tpu.wait_dma2 semaphore(%dma_wait3A_635 : memref<!tpu.dma_semaphore, #tpu.memory_space<semaphore_mem>>) src(%dma_wait3A_641 : memref<128x128xf32, #tpu.memory_space<vmem>>) dst(%dma_wait3A_637 : memref<128x128xf32, #tpu.memory_space<hbm>>)
    %dma_start3A_642 = arith.constant 3 : i32
    %dma_start3A_643 = arith.constant 2 : i32
    %dma_start3A_644 = arith.constant 2 : i32
    %dma_start3A_645 = arith.constant 0 : i32
    %dma_start3A_646 = arith.constant 0 : i32
    %dma_start3A_647 = tpu.memref_slice %arg14[%dma_start3A_643, %dma_start3A_645, %dma_start3A_646] : memref<3x128x128xf32, #tpu.memory_space<vmem>> -> memref<1x128x128xf32, #tpu.memory_space<vmem>>
    %dma_start3A_648 = tpu.memref_squeeze %dma_start3A_647 : memref<1x128x128xf32, #tpu.memory_space<vmem>> -> memref<128x128xf32, #tpu.memory_space<vmem>>
    %dma_start3A_649 = arith.constant 0 : i32
    %dma_start3A_650 = tpu.memref_slice %arg12[%dma_start3A_642, %dma_start3A_649] : memref<4x128xi32, #tpu.memory_space<vmem>> -> memref<1x128xi32, #tpu.memory_space<vmem>>
    %dma_start3A_651 = tpu.memref_squeeze %dma_start3A_650 : memref<1x128xi32, #tpu.memory_space<vmem>> -> memref<128xi32, #tpu.memory_space<vmem>>
    %dma_start3A_652 = arith.constant 0 : i32
    %dma_start3A_653 = arith.constant 0 : i32
    %dma_start3A_654 = tpu.memref_slice %arg6[%dma_start3A_652, %dma_start3A_653] : memref<253952x128xf32, #tpu.memory_space<hbm>> -> memref<253952x128xf32, #tpu.memory_space<hbm>>
    %dma_start3A_655 = tpu.memref_slice %arg15[%dma_start3A_644] : memref<3x!tpu.dma_semaphore, #tpu.memory_space<semaphore_mem>> -> memref<1x!tpu.dma_semaphore, #tpu.memory_space<semaphore_mem>>
    %dma_start3A_656 = tpu.memref_squeeze %dma_start3A_655 : memref<1x!tpu.dma_semaphore, #tpu.memory_space<semaphore_mem>> -> memref<!tpu.dma_semaphore, #tpu.memory_space<semaphore_mem>>
    tpu.enqueue_indirect_dma source(%dma_start3A_654 : memref<253952x128xf32, #tpu.memory_space<hbm>>) target(%dma_start3A_648 : memref<128x128xf32, #tpu.memory_space<vmem>>) offsets(%dma_start3A_651 : memref<128xi32, #tpu.memory_space<vmem>>) semaphore(%dma_start3A_656 : memref<!tpu.dma_semaphore, #tpu.memory_space<semaphore_mem>>)
    %dma_wait3A_657 = arith.constant 2 : i32
    %dma_wait3A_658 = arith.constant 1 : i32
    %dma_wait3A_659 = arith.constant 1 : i32
    %dma_wait3A_660 = arith.constant 0 : i32
    %dma_wait3A_661 = arith.constant 0 : i32
    %dma_wait3A_662 = tpu.memref_slice %arg14[%dma_wait3A_658, %dma_wait3A_660, %dma_wait3A_661] : memref<3x128x128xf32, #tpu.memory_space<vmem>> -> memref<1x128x128xf32, #tpu.memory_space<vmem>>
    %dma_wait3A_663 = tpu.memref_squeeze %dma_wait3A_662 : memref<1x128x128xf32, #tpu.memory_space<vmem>> -> memref<128x128xf32, #tpu.memory_space<vmem>>
    %dma_wait3A_664 = arith.constant 0 : i32
    %dma_wait3A_665 = tpu.memref_slice %arg12[%dma_wait3A_657, %dma_wait3A_664] : memref<4x128xi32, #tpu.memory_space<vmem>> -> memref<1x128xi32, #tpu.memory_space<vmem>>
    %dma_wait3A_666 = tpu.memref_squeeze %dma_wait3A_665 : memref<1x128xi32, #tpu.memory_space<vmem>> -> memref<128xi32, #tpu.memory_space<vmem>>
    %dma_wait3A_667 = arith.constant 0 : i32
    %dma_wait3A_668 = arith.constant 0 : i32
    %dma_wait3A_669 = tpu.memref_slice %arg6[%dma_wait3A_667, %dma_wait3A_668] : memref<253952x128xf32, #tpu.memory_space<hbm>> -> memref<253952x128xf32, #tpu.memory_space<hbm>>
    %dma_wait3A_670 = tpu.memref_slice %arg15[%dma_wait3A_659] : memref<3x!tpu.dma_semaphore, #tpu.memory_space<semaphore_mem>> -> memref<1x!tpu.dma_semaphore, #tpu.memory_space<semaphore_mem>>
    %dma_wait3A_671 = tpu.memref_squeeze %dma_wait3A_670 : memref<1x!tpu.dma_semaphore, #tpu.memory_space<semaphore_mem>> -> memref<!tpu.dma_semaphore, #tpu.memory_space<semaphore_mem>>
    tpu.wait_indirect_dma semaphore(%dma_wait3A_671 : memref<!tpu.dma_semaphore, #tpu.memory_space<semaphore_mem>>) src(%dma_wait3A_669 : memref<253952x128xf32, #tpu.memory_space<hbm>>) dst(%dma_wait3A_663 : memref<128x128xf32, #tpu.memory_space<vmem>>)
    %add3A_672 = arith.constant 256 : i32
    %add3A_673 = arith.addi %mul3A_4, %add3A_672 : i32
    %dma_start3A_674 = arith.constant 1 : i32
    %dma_start3A_675 = arith.constant 1 : i32
    %dma_start3A_676 = arith.constant 0 : i32
    %dma_start3A_677 = arith.constant 0 : i32
    %dma_start3A_678 = tpu.memref_slice %arg14[%dma_start3A_674, %dma_start3A_676, %dma_start3A_677] : memref<3x128x128xf32, #tpu.memory_space<vmem>> -> memref<1x128x128xf32, #tpu.memory_space<vmem>>
    %dma_start3A_679 = tpu.memref_squeeze %dma_start3A_678 : memref<1x128x128xf32, #tpu.memory_space<vmem>> -> memref<128x128xf32, #tpu.memory_space<vmem>>
    %dma_start3A_680 = arith.constant 0 : i32
    %dma_start3A_681 = tpu.memref_slice %arg10[%add3A_673, %dma_start3A_680] : memref<16384x128xf32, #tpu.memory_space<hbm>> -> memref<128x128xf32, #tpu.memory_space<hbm>>
    %dma_start3A_682 = tpu.memref_slice %arg16[%dma_start3A_675] : memref<3x!tpu.dma_semaphore, #tpu.memory_space<semaphore_mem>> -> memref<1x!tpu.dma_semaphore, #tpu.memory_space<semaphore_mem>>
    %dma_start3A_683 = tpu.memref_squeeze %dma_start3A_682 : memref<1x!tpu.dma_semaphore, #tpu.memory_space<semaphore_mem>> -> memref<!tpu.dma_semaphore, #tpu.memory_space<semaphore_mem>>
    %dma_start3A_684 = arith.constant 0 : i32
    %dma_start3A_685 = tpu.memref_slice %arg10[%add3A_673, %dma_start3A_684] : memref<16384x128xf32, #tpu.memory_space<hbm>> -> memref<128x128xf32, #tpu.memory_space<hbm>>
    %dma_start3A_686 = arith.constant 0 : i32
    %dma_start3A_687 = arith.constant 0 : i32
    %dma_start3A_688 = tpu.memref_slice %arg14[%dma_start3A_674, %dma_start3A_686, %dma_start3A_687] : memref<3x128x128xf32, #tpu.memory_space<vmem>> -> memref<1x128x128xf32, #tpu.memory_space<vmem>>
    %dma_start3A_689 = tpu.memref_squeeze %dma_start3A_688 : memref<1x128x128xf32, #tpu.memory_space<vmem>> -> memref<128x128xf32, #tpu.memory_space<vmem>>
    tpu.enqueue_dma source(%dma_start3A_689 : memref<128x128xf32, #tpu.memory_space<vmem>>) target(%dma_start3A_685 : memref<128x128xf32, #tpu.memory_space<hbm>>) target_semaphore(%dma_start3A_683 : memref<!tpu.dma_semaphore, #tpu.memory_space<semaphore_mem>>)
    %dma_wait3A_690 = arith.constant 0 : i32
    %dma_wait3A_691 = arith.constant 0 : i32
    %dma_wait3A_692 = arith.constant 0 : i32
    %dma_wait3A_693 = arith.constant 0 : i32
    %dma_wait3A_694 = tpu.memref_slice %arg14[%dma_wait3A_690, %dma_wait3A_692, %dma_wait3A_693] : memref<3x128x128xf32, #tpu.memory_space<vmem>> -> memref<1x128x128xf32, #tpu.memory_space<vmem>>
    %dma_wait3A_695 = tpu.memref_squeeze %dma_wait3A_694 : memref<1x128x128xf32, #tpu.memory_space<vmem>> -> memref<128x128xf32, #tpu.memory_space<vmem>>
    %dma_wait3A_696 = arith.constant 0 : i32
    %dma_wait3A_697 = tpu.memref_slice %arg10[%add3A_609, %dma_wait3A_696] : memref<16384x128xf32, #tpu.memory_space<hbm>> -> memref<128x128xf32, #tpu.memory_space<hbm>>
    %dma_wait3A_698 = tpu.memref_slice %arg16[%dma_wait3A_691] : memref<3x!tpu.dma_semaphore, #tpu.memory_space<semaphore_mem>> -> memref<1x!tpu.dma_semaphore, #tpu.memory_space<semaphore_mem>>
    %dma_wait3A_699 = tpu.memref_squeeze %dma_wait3A_698 : memref<1x!tpu.dma_semaphore, #tpu.memory_space<semaphore_mem>> -> memref<!tpu.dma_semaphore, #tpu.memory_space<semaphore_mem>>
    %dma_wait3A_700 = arith.constant 0 : i32
    %dma_wait3A_701 = tpu.memref_slice %arg10[%add3A_609, %dma_wait3A_700] : memref<16384x128xf32, #tpu.memory_space<hbm>> -> memref<128x128xf32, #tpu.memory_space<hbm>>
    %dma_wait3A_702 = arith.constant 0 : i32
    %dma_wait3A_703 = arith.constant 0 : i32
    %dma_wait3A_704 = tpu.memref_slice %arg14[%dma_wait3A_690, %dma_wait3A_702, %dma_wait3A_703] : memref<3x128x128xf32, #tpu.memory_space<vmem>> -> memref<1x128x128xf32, #tpu.memory_space<vmem>>
    %dma_wait3A_705 = tpu.memref_squeeze %dma_wait3A_704 : memref<1x128x128xf32, #tpu.memory_space<vmem>> -> memref<128x128xf32, #tpu.memory_space<vmem>>
    tpu.wait_dma2 semaphore(%dma_wait3A_699 : memref<!tpu.dma_semaphore, #tpu.memory_space<semaphore_mem>>) src(%dma_wait3A_705 : memref<128x128xf32, #tpu.memory_space<vmem>>) dst(%dma_wait3A_701 : memref<128x128xf32, #tpu.memory_space<hbm>>)
    %dma_start3A_706 = arith.constant 0 : i32
    %dma_start3A_707 = arith.constant 0 : i32
    %dma_start3A_708 = arith.constant 0 : i32
    %dma_start3A_709 = arith.constant 0 : i32
    %dma_start3A_710 = arith.constant 0 : i32
    %dma_start3A_711 = tpu.memref_slice %arg14[%dma_start3A_707, %dma_start3A_709, %dma_start3A_710] : memref<3x128x128xf32, #tpu.memory_space<vmem>> -> memref<1x128x128xf32, #tpu.memory_space<vmem>>
    %dma_start3A_712 = tpu.memref_squeeze %dma_start3A_711 : memref<1x128x128xf32, #tpu.memory_space<vmem>> -> memref<128x128xf32, #tpu.memory_space<vmem>>
    %dma_start3A_713 = arith.constant 0 : i32
    %dma_start3A_714 = tpu.memref_slice %arg13[%dma_start3A_706, %dma_start3A_713] : memref<4x128xi32, #tpu.memory_space<vmem>> -> memref<1x128xi32, #tpu.memory_space<vmem>>
    %dma_start3A_715 = tpu.memref_squeeze %dma_start3A_714 : memref<1x128xi32, #tpu.memory_space<vmem>> -> memref<128xi32, #tpu.memory_space<vmem>>
    %dma_start3A_716 = arith.constant 0 : i32
    %dma_start3A_717 = arith.constant 0 : i32
    %dma_start3A_718 = tpu.memref_slice %arg7[%dma_start3A_716, %dma_start3A_717] : memref<253952x128xf32, #tpu.memory_space<hbm>> -> memref<253952x128xf32, #tpu.memory_space<hbm>>
    %dma_start3A_719 = tpu.memref_slice %arg15[%dma_start3A_708] : memref<3x!tpu.dma_semaphore, #tpu.memory_space<semaphore_mem>> -> memref<1x!tpu.dma_semaphore, #tpu.memory_space<semaphore_mem>>
    %dma_start3A_720 = tpu.memref_squeeze %dma_start3A_719 : memref<1x!tpu.dma_semaphore, #tpu.memory_space<semaphore_mem>> -> memref<!tpu.dma_semaphore, #tpu.memory_space<semaphore_mem>>
    tpu.enqueue_indirect_dma source(%dma_start3A_718 : memref<253952x128xf32, #tpu.memory_space<hbm>>) target(%dma_start3A_712 : memref<128x128xf32, #tpu.memory_space<vmem>>) offsets(%dma_start3A_715 : memref<128xi32, #tpu.memory_space<vmem>>) semaphore(%dma_start3A_720 : memref<!tpu.dma_semaphore, #tpu.memory_space<semaphore_mem>>)
    %dma_wait3A_721 = arith.constant 3 : i32
    %dma_wait3A_722 = arith.constant 2 : i32
    %dma_wait3A_723 = arith.constant 2 : i32
    %dma_wait3A_724 = arith.constant 0 : i32
    %dma_wait3A_725 = arith.constant 0 : i32
    %dma_wait3A_726 = tpu.memref_slice %arg14[%dma_wait3A_722, %dma_wait3A_724, %dma_wait3A_725] : memref<3x128x128xf32, #tpu.memory_space<vmem>> -> memref<1x128x128xf32, #tpu.memory_space<vmem>>
    %dma_wait3A_727 = tpu.memref_squeeze %dma_wait3A_726 : memref<1x128x128xf32, #tpu.memory_space<vmem>> -> memref<128x128xf32, #tpu.memory_space<vmem>>
    %dma_wait3A_728 = arith.constant 0 : i32
    %dma_wait3A_729 = tpu.memref_slice %arg12[%dma_wait3A_721, %dma_wait3A_728] : memref<4x128xi32, #tpu.memory_space<vmem>> -> memref<1x128xi32, #tpu.memory_space<vmem>>
    %dma_wait3A_730 = tpu.memref_squeeze %dma_wait3A_729 : memref<1x128xi32, #tpu.memory_space<vmem>> -> memref<128xi32, #tpu.memory_space<vmem>>
    %dma_wait3A_731 = arith.constant 0 : i32
    %dma_wait3A_732 = arith.constant 0 : i32
    %dma_wait3A_733 = tpu.memref_slice %arg6[%dma_wait3A_731, %dma_wait3A_732] : memref<253952x128xf32, #tpu.memory_space<hbm>> -> memref<253952x128xf32, #tpu.memory_space<hbm>>
    %dma_wait3A_734 = tpu.memref_slice %arg15[%dma_wait3A_723] : memref<3x!tpu.dma_semaphore, #tpu.memory_space<semaphore_mem>> -> memref<1x!tpu.dma_semaphore, #tpu.memory_space<semaphore_mem>>
    %dma_wait3A_735 = tpu.memref_squeeze %dma_wait3A_734 : memref<1x!tpu.dma_semaphore, #tpu.memory_space<semaphore_mem>> -> memref<!tpu.dma_semaphore, #tpu.memory_space<semaphore_mem>>
    tpu.wait_indirect_dma semaphore(%dma_wait3A_735 : memref<!tpu.dma_semaphore, #tpu.memory_space<semaphore_mem>>) src(%dma_wait3A_733 : memref<253952x128xf32, #tpu.memory_space<hbm>>) dst(%dma_wait3A_727 : memref<128x128xf32, #tpu.memory_space<vmem>>)
    %add3A_736 = arith.constant 384 : i32
    %add3A_737 = arith.addi %mul3A_4, %add3A_736 : i32
    %dma_start3A_738 = arith.constant 2 : i32
    %dma_start3A_739 = arith.constant 2 : i32
    %dma_start3A_740 = arith.constant 0 : i32
    %dma_start3A_741 = arith.constant 0 : i32
    %dma_start3A_742 = tpu.memref_slice %arg14[%dma_start3A_738, %dma_start3A_740, %dma_start3A_741] : memref<3x128x128xf32, #tpu.memory_space<vmem>> -> memref<1x128x128xf32, #tpu.memory_space<vmem>>
    %dma_start3A_743 = tpu.memref_squeeze %dma_start3A_742 : memref<1x128x128xf32, #tpu.memory_space<vmem>> -> memref<128x128xf32, #tpu.memory_space<vmem>>
    %dma_start3A_744 = arith.constant 0 : i32
    %dma_start3A_745 = tpu.memref_slice %arg10[%add3A_737, %dma_start3A_744] : memref<16384x128xf32, #tpu.memory_space<hbm>> -> memref<128x128xf32, #tpu.memory_space<hbm>>
    %dma_start3A_746 = tpu.memref_slice %arg16[%dma_start3A_739] : memref<3x!tpu.dma_semaphore, #tpu.memory_space<semaphore_mem>> -> memref<1x!tpu.dma_semaphore, #tpu.memory_space<semaphore_mem>>
    %dma_start3A_747 = tpu.memref_squeeze %dma_start3A_746 : memref<1x!tpu.dma_semaphore, #tpu.memory_space<semaphore_mem>> -> memref<!tpu.dma_semaphore, #tpu.memory_space<semaphore_mem>>
    %dma_start3A_748 = arith.constant 0 : i32
    %dma_start3A_749 = tpu.memref_slice %arg10[%add3A_737, %dma_start3A_748] : memref<16384x128xf32, #tpu.memory_space<hbm>> -> memref<128x128xf32, #tpu.memory_space<hbm>>
    %dma_start3A_750 = arith.constant 0 : i32
    %dma_start3A_751 = arith.constant 0 : i32
    %dma_start3A_752 = tpu.memref_slice %arg14[%dma_start3A_738, %dma_start3A_750, %dma_start3A_751] : memref<3x128x128xf32, #tpu.memory_space<vmem>> -> memref<1x128x128xf32, #tpu.memory_space<vmem>>
    %dma_start3A_753 = tpu.memref_squeeze %dma_start3A_752 : memref<1x128x128xf32, #tpu.memory_space<vmem>> -> memref<128x128xf32, #tpu.memory_space<vmem>>
    tpu.enqueue_dma source(%dma_start3A_753 : memref<128x128xf32, #tpu.memory_space<vmem>>) target(%dma_start3A_749 : memref<128x128xf32, #tpu.memory_space<hbm>>) target_semaphore(%dma_start3A_747 : memref<!tpu.dma_semaphore, #tpu.memory_space<semaphore_mem>>)
    %dma_wait3A_754 = arith.constant 1 : i32
    %dma_wait3A_755 = arith.constant 1 : i32
    %dma_wait3A_756 = arith.constant 0 : i32
    %dma_wait3A_757 = arith.constant 0 : i32
    %dma_wait3A_758 = tpu.memref_slice %arg14[%dma_wait3A_754, %dma_wait3A_756, %dma_wait3A_757] : memref<3x128x128xf32, #tpu.memory_space<vmem>> -> memref<1x128x128xf32, #tpu.memory_space<vmem>>
    %dma_wait3A_759 = tpu.memref_squeeze %dma_wait3A_758 : memref<1x128x128xf32, #tpu.memory_space<vmem>> -> memref<128x128xf32, #tpu.memory_space<vmem>>
    %dma_wait3A_760 = arith.constant 0 : i32
    %dma_wait3A_761 = tpu.memref_slice %arg10[%add3A_673, %dma_wait3A_760] : memref<16384x128xf32, #tpu.memory_space<hbm>> -> memref<128x128xf32, #tpu.memory_space<hbm>>
    %dma_wait3A_762 = tpu.memref_slice %arg16[%dma_wait3A_755] : memref<3x!tpu.dma_semaphore, #tpu.memory_space<semaphore_mem>> -> memref<1x!tpu.dma_semaphore, #tpu.memory_space<semaphore_mem>>
    %dma_wait3A_763 = tpu.memref_squeeze %dma_wait3A_762 : memref<1x!tpu.dma_semaphore, #tpu.memory_space<semaphore_mem>> -> memref<!tpu.dma_semaphore, #tpu.memory_space<semaphore_mem>>
    %dma_wait3A_764 = arith.constant 0 : i32
    %dma_wait3A_765 = tpu.memref_slice %arg10[%add3A_673, %dma_wait3A_764] : memref<16384x128xf32, #tpu.memory_space<hbm>> -> memref<128x128xf32, #tpu.memory_space<hbm>>
    %dma_wait3A_766 = arith.constant 0 : i32
    %dma_wait3A_767 = arith.constant 0 : i32
    %dma_wait3A_768 = tpu.memref_slice %arg14[%dma_wait3A_754, %dma_wait3A_766, %dma_wait3A_767] : memref<3x128x128xf32, #tpu.memory_space<vmem>> -> memref<1x128x128xf32, #tpu.memory_space<vmem>>
    %dma_wait3A_769 = tpu.memref_squeeze %dma_wait3A_768 : memref<1x128x128xf32, #tpu.memory_space<vmem>> -> memref<128x128xf32, #tpu.memory_space<vmem>>
    tpu.wait_dma2 semaphore(%dma_wait3A_763 : memref<!tpu.dma_semaphore, #tpu.memory_space<semaphore_mem>>) src(%dma_wait3A_769 : memref<128x128xf32, #tpu.memory_space<vmem>>) dst(%dma_wait3A_765 : memref<128x128xf32, #tpu.memory_space<hbm>>)
    %dma_start3A_770 = arith.constant 1 : i32
    %dma_start3A_771 = arith.constant 1 : i32
    %dma_start3A_772 = arith.constant 1 : i32
    %dma_start3A_773 = arith.constant 0 : i32
    %dma_start3A_774 = arith.constant 0 : i32
    %dma_start3A_775 = tpu.memref_slice %arg14[%dma_start3A_771, %dma_start3A_773, %dma_start3A_774] : memref<3x128x128xf32, #tpu.memory_space<vmem>> -> memref<1x128x128xf32, #tpu.memory_space<vmem>>
    %dma_start3A_776 = tpu.memref_squeeze %dma_start3A_775 : memref<1x128x128xf32, #tpu.memory_space<vmem>> -> memref<128x128xf32, #tpu.memory_space<vmem>>
    %dma_start3A_777 = arith.constant 0 : i32
    %dma_start3A_778 = tpu.memref_slice %arg13[%dma_start3A_770, %dma_start3A_777] : memref<4x128xi32, #tpu.memory_space<vmem>> -> memref<1x128xi32, #tpu.memory_space<vmem>>
    %dma_start3A_779 = tpu.memref_squeeze %dma_start3A_778 : memref<1x128xi32, #tpu.memory_space<vmem>> -> memref<128xi32, #tpu.memory_space<vmem>>
    %dma_start3A_780 = arith.constant 0 : i32
    %dma_start3A_781 = arith.constant 0 : i32
    %dma_start3A_782 = tpu.memref_slice %arg7[%dma_start3A_780, %dma_start3A_781] : memref<253952x128xf32, #tpu.memory_space<hbm>> -> memref<253952x128xf32, #tpu.memory_space<hbm>>
    %dma_start3A_783 = tpu.memref_slice %arg15[%dma_start3A_772] : memref<3x!tpu.dma_semaphore, #tpu.memory_space<semaphore_mem>> -> memref<1x!tpu.dma_semaphore, #tpu.memory_space<semaphore_mem>>
    %dma_start3A_784 = tpu.memref_squeeze %dma_start3A_783 : memref<1x!tpu.dma_semaphore, #tpu.memory_space<semaphore_mem>> -> memref<!tpu.dma_semaphore, #tpu.memory_space<semaphore_mem>>
    tpu.enqueue_indirect_dma source(%dma_start3A_782 : memref<253952x128xf32, #tpu.memory_space<hbm>>) target(%dma_start3A_776 : memref<128x128xf32, #tpu.memory_space<vmem>>) offsets(%dma_start3A_779 : memref<128xi32, #tpu.memory_space<vmem>>) semaphore(%dma_start3A_784 : memref<!tpu.dma_semaphore, #tpu.memory_space<semaphore_mem>>)
    %dma_wait3A_785 = arith.constant 0 : i32
    %dma_wait3A_786 = arith.constant 0 : i32
    %dma_wait3A_787 = arith.constant 0 : i32
    %dma_wait3A_788 = arith.constant 0 : i32
    %dma_wait3A_789 = arith.constant 0 : i32
    %dma_wait3A_790 = tpu.memref_slice %arg14[%dma_wait3A_786, %dma_wait3A_788, %dma_wait3A_789] : memref<3x128x128xf32, #tpu.memory_space<vmem>> -> memref<1x128x128xf32, #tpu.memory_space<vmem>>
    %dma_wait3A_791 = tpu.memref_squeeze %dma_wait3A_790 : memref<1x128x128xf32, #tpu.memory_space<vmem>> -> memref<128x128xf32, #tpu.memory_space<vmem>>
    %dma_wait3A_792 = arith.constant 0 : i32
    %dma_wait3A_793 = tpu.memref_slice %arg13[%dma_wait3A_785, %dma_wait3A_792] : memref<4x128xi32, #tpu.memory_space<vmem>> -> memref<1x128xi32, #tpu.memory_space<vmem>>
    %dma_wait3A_794 = tpu.memref_squeeze %dma_wait3A_793 : memref<1x128xi32, #tpu.memory_space<vmem>> -> memref<128xi32, #tpu.memory_space<vmem>>
    %dma_wait3A_795 = arith.constant 0 : i32
    %dma_wait3A_796 = arith.constant 0 : i32
    %dma_wait3A_797 = tpu.memref_slice %arg7[%dma_wait3A_795, %dma_wait3A_796] : memref<253952x128xf32, #tpu.memory_space<hbm>> -> memref<253952x128xf32, #tpu.memory_space<hbm>>
    %dma_wait3A_798 = tpu.memref_slice %arg15[%dma_wait3A_787] : memref<3x!tpu.dma_semaphore, #tpu.memory_space<semaphore_mem>> -> memref<1x!tpu.dma_semaphore, #tpu.memory_space<semaphore_mem>>
    %dma_wait3A_799 = tpu.memref_squeeze %dma_wait3A_798 : memref<1x!tpu.dma_semaphore, #tpu.memory_space<semaphore_mem>> -> memref<!tpu.dma_semaphore, #tpu.memory_space<semaphore_mem>>
    tpu.wait_indirect_dma semaphore(%dma_wait3A_799 : memref<!tpu.dma_semaphore, #tpu.memory_space<semaphore_mem>>) src(%dma_wait3A_797 : memref<253952x128xf32, #tpu.memory_space<hbm>>) dst(%dma_wait3A_791 : memref<128x128xf32, #tpu.memory_space<vmem>>)
    %add3A_800 = arith.constant 0 : i32
    %add3A_801 = arith.addi %mul3A_4, %add3A_800 : i32
    %dma_start3A_802 = arith.constant 0 : i32
    %dma_start3A_803 = arith.constant 0 : i32
    %dma_start3A_804 = arith.constant 0 : i32
    %dma_start3A_805 = arith.constant 0 : i32
    %dma_start3A_806 = tpu.memref_slice %arg14[%dma_start3A_802, %dma_start3A_804, %dma_start3A_805] : memref<3x128x128xf32, #tpu.memory_space<vmem>> -> memref<1x128x128xf32, #tpu.memory_space<vmem>>
    %dma_start3A_807 = tpu.memref_squeeze %dma_start3A_806 : memref<1x128x128xf32, #tpu.memory_space<vmem>> -> memref<128x128xf32, #tpu.memory_space<vmem>>
    %dma_start3A_808 = arith.constant 0 : i32
    %dma_start3A_809 = tpu.memref_slice %arg11[%add3A_801, %dma_start3A_808] : memref<16384x128xf32, #tpu.memory_space<hbm>> -> memref<128x128xf32, #tpu.memory_space<hbm>>
    %dma_start3A_810 = tpu.memref_slice %arg16[%dma_start3A_803] : memref<3x!tpu.dma_semaphore, #tpu.memory_space<semaphore_mem>> -> memref<1x!tpu.dma_semaphore, #tpu.memory_space<semaphore_mem>>
    %dma_start3A_811 = tpu.memref_squeeze %dma_start3A_810 : memref<1x!tpu.dma_semaphore, #tpu.memory_space<semaphore_mem>> -> memref<!tpu.dma_semaphore, #tpu.memory_space<semaphore_mem>>
    %dma_start3A_812 = arith.constant 0 : i32
    %dma_start3A_813 = tpu.memref_slice %arg11[%add3A_801, %dma_start3A_812] : memref<16384x128xf32, #tpu.memory_space<hbm>> -> memref<128x128xf32, #tpu.memory_space<hbm>>
    %dma_start3A_814 = arith.constant 0 : i32
    %dma_start3A_815 = arith.constant 0 : i32
    %dma_start3A_816 = tpu.memref_slice %arg14[%dma_start3A_802, %dma_start3A_814, %dma_start3A_815] : memref<3x128x128xf32, #tpu.memory_space<vmem>> -> memref<1x128x128xf32, #tpu.memory_space<vmem>>
    %dma_start3A_817 = tpu.memref_squeeze %dma_start3A_816 : memref<1x128x128xf32, #tpu.memory_space<vmem>> -> memref<128x128xf32, #tpu.memory_space<vmem>>
    tpu.enqueue_dma source(%dma_start3A_817 : memref<128x128xf32, #tpu.memory_space<vmem>>) target(%dma_start3A_813 : memref<128x128xf32, #tpu.memory_space<hbm>>) target_semaphore(%dma_start3A_811 : memref<!tpu.dma_semaphore, #tpu.memory_space<semaphore_mem>>)
    %dma_wait3A_818 = arith.constant 2 : i32
    %dma_wait3A_819 = arith.constant 2 : i32
    %dma_wait3A_820 = arith.constant 0 : i32
    %dma_wait3A_821 = arith.constant 0 : i32
    %dma_wait3A_822 = tpu.memref_slice %arg14[%dma_wait3A_818, %dma_wait3A_820, %dma_wait3A_821] : memref<3x128x128xf32, #tpu.memory_space<vmem>> -> memref<1x128x128xf32, #tpu.memory_space<vmem>>
    %dma_wait3A_823 = tpu.memref_squeeze %dma_wait3A_822 : memref<1x128x128xf32, #tpu.memory_space<vmem>> -> memref<128x128xf32, #tpu.memory_space<vmem>>
    %dma_wait3A_824 = arith.constant 0 : i32
    %dma_wait3A_825 = tpu.memref_slice %arg10[%add3A_737, %dma_wait3A_824] : memref<16384x128xf32, #tpu.memory_space<hbm>> -> memref<128x128xf32, #tpu.memory_space<hbm>>
    %dma_wait3A_826 = tpu.memref_slice %arg16[%dma_wait3A_819] : memref<3x!tpu.dma_semaphore, #tpu.memory_space<semaphore_mem>> -> memref<1x!tpu.dma_semaphore, #tpu.memory_space<semaphore_mem>>
    %dma_wait3A_827 = tpu.memref_squeeze %dma_wait3A_826 : memref<1x!tpu.dma_semaphore, #tpu.memory_space<semaphore_mem>> -> memref<!tpu.dma_semaphore, #tpu.memory_space<semaphore_mem>>
    %dma_wait3A_828 = arith.constant 0 : i32
    %dma_wait3A_829 = tpu.memref_slice %arg10[%add3A_737, %dma_wait3A_828] : memref<16384x128xf32, #tpu.memory_space<hbm>> -> memref<128x128xf32, #tpu.memory_space<hbm>>
    %dma_wait3A_830 = arith.constant 0 : i32
    %dma_wait3A_831 = arith.constant 0 : i32
    %dma_wait3A_832 = tpu.memref_slice %arg14[%dma_wait3A_818, %dma_wait3A_830, %dma_wait3A_831] : memref<3x128x128xf32, #tpu.memory_space<vmem>> -> memref<1x128x128xf32, #tpu.memory_space<vmem>>
    %dma_wait3A_833 = tpu.memref_squeeze %dma_wait3A_832 : memref<1x128x128xf32, #tpu.memory_space<vmem>> -> memref<128x128xf32, #tpu.memory_space<vmem>>
    tpu.wait_dma2 semaphore(%dma_wait3A_827 : memref<!tpu.dma_semaphore, #tpu.memory_space<semaphore_mem>>) src(%dma_wait3A_833 : memref<128x128xf32, #tpu.memory_space<vmem>>) dst(%dma_wait3A_829 : memref<128x128xf32, #tpu.memory_space<hbm>>)
    %dma_start3A_834 = arith.constant 2 : i32
    %dma_start3A_835 = arith.constant 2 : i32
    %dma_start3A_836 = arith.constant 2 : i32
    %dma_start3A_837 = arith.constant 0 : i32
    %dma_start3A_838 = arith.constant 0 : i32
    %dma_start3A_839 = tpu.memref_slice %arg14[%dma_start3A_835, %dma_start3A_837, %dma_start3A_838] : memref<3x128x128xf32, #tpu.memory_space<vmem>> -> memref<1x128x128xf32, #tpu.memory_space<vmem>>
    %dma_start3A_840 = tpu.memref_squeeze %dma_start3A_839 : memref<1x128x128xf32, #tpu.memory_space<vmem>> -> memref<128x128xf32, #tpu.memory_space<vmem>>
    %dma_start3A_841 = arith.constant 0 : i32
    %dma_start3A_842 = tpu.memref_slice %arg13[%dma_start3A_834, %dma_start3A_841] : memref<4x128xi32, #tpu.memory_space<vmem>> -> memref<1x128xi32, #tpu.memory_space<vmem>>
    %dma_start3A_843 = tpu.memref_squeeze %dma_start3A_842 : memref<1x128xi32, #tpu.memory_space<vmem>> -> memref<128xi32, #tpu.memory_space<vmem>>
    %dma_start3A_844 = arith.constant 0 : i32
    %dma_start3A_845 = arith.constant 0 : i32
    %dma_start3A_846 = tpu.memref_slice %arg7[%dma_start3A_844, %dma_start3A_845] : memref<253952x128xf32, #tpu.memory_space<hbm>> -> memref<253952x128xf32, #tpu.memory_space<hbm>>
    %dma_start3A_847 = tpu.memref_slice %arg15[%dma_start3A_836] : memref<3x!tpu.dma_semaphore, #tpu.memory_space<semaphore_mem>> -> memref<1x!tpu.dma_semaphore, #tpu.memory_space<semaphore_mem>>
    %dma_start3A_848 = tpu.memref_squeeze %dma_start3A_847 : memref<1x!tpu.dma_semaphore, #tpu.memory_space<semaphore_mem>> -> memref<!tpu.dma_semaphore, #tpu.memory_space<semaphore_mem>>
    tpu.enqueue_indirect_dma source(%dma_start3A_846 : memref<253952x128xf32, #tpu.memory_space<hbm>>) target(%dma_start3A_840 : memref<128x128xf32, #tpu.memory_space<vmem>>) offsets(%dma_start3A_843 : memref<128xi32, #tpu.memory_space<vmem>>) semaphore(%dma_start3A_848 : memref<!tpu.dma_semaphore, #tpu.memory_space<semaphore_mem>>)
    %dma_wait3A_849 = arith.constant 1 : i32
    %dma_wait3A_850 = arith.constant 1 : i32
    %dma_wait3A_851 = arith.constant 1 : i32
    %dma_wait3A_852 = arith.constant 0 : i32
    %dma_wait3A_853 = arith.constant 0 : i32
    %dma_wait3A_854 = tpu.memref_slice %arg14[%dma_wait3A_850, %dma_wait3A_852, %dma_wait3A_853] : memref<3x128x128xf32, #tpu.memory_space<vmem>> -> memref<1x128x128xf32, #tpu.memory_space<vmem>>
    %dma_wait3A_855 = tpu.memref_squeeze %dma_wait3A_854 : memref<1x128x128xf32, #tpu.memory_space<vmem>> -> memref<128x128xf32, #tpu.memory_space<vmem>>
    %dma_wait3A_856 = arith.constant 0 : i32
    %dma_wait3A_857 = tpu.memref_slice %arg13[%dma_wait3A_849, %dma_wait3A_856] : memref<4x128xi32, #tpu.memory_space<vmem>> -> memref<1x128xi32, #tpu.memory_space<vmem>>
    %dma_wait3A_858 = tpu.memref_squeeze %dma_wait3A_857 : memref<1x128xi32, #tpu.memory_space<vmem>> -> memref<128xi32, #tpu.memory_space<vmem>>
    %dma_wait3A_859 = arith.constant 0 : i32
    %dma_wait3A_860 = arith.constant 0 : i32
    %dma_wait3A_861 = tpu.memref_slice %arg7[%dma_wait3A_859, %dma_wait3A_860] : memref<253952x128xf32, #tpu.memory_space<hbm>> -> memref<253952x128xf32, #tpu.memory_space<hbm>>
    %dma_wait3A_862 = tpu.memref_slice %arg15[%dma_wait3A_851] : memref<3x!tpu.dma_semaphore, #tpu.memory_space<semaphore_mem>> -> memref<1x!tpu.dma_semaphore, #tpu.memory_space<semaphore_mem>>
    %dma_wait3A_863 = tpu.memref_squeeze %dma_wait3A_862 : memref<1x!tpu.dma_semaphore, #tpu.memory_space<semaphore_mem>> -> memref<!tpu.dma_semaphore, #tpu.memory_space<semaphore_mem>>
    tpu.wait_indirect_dma semaphore(%dma_wait3A_863 : memref<!tpu.dma_semaphore, #tpu.memory_space<semaphore_mem>>) src(%dma_wait3A_861 : memref<253952x128xf32, #tpu.memory_space<hbm>>) dst(%dma_wait3A_855 : memref<128x128xf32, #tpu.memory_space<vmem>>)
    %add3A_864 = arith.constant 128 : i32
    %add3A_865 = arith.addi %mul3A_4, %add3A_864 : i32
    %dma_start3A_866 = arith.constant 1 : i32
    %dma_start3A_867 = arith.constant 1 : i32
    %dma_start3A_868 = arith.constant 0 : i32
    %dma_start3A_869 = arith.constant 0 : i32
    %dma_start3A_870 = tpu.memref_slice %arg14[%dma_start3A_866, %dma_start3A_868, %dma_start3A_869] : memref<3x128x128xf32, #tpu.memory_space<vmem>> -> memref<1x128x128xf32, #tpu.memory_space<vmem>>
    %dma_start3A_871 = tpu.memref_squeeze %dma_start3A_870 : memref<1x128x128xf32, #tpu.memory_space<vmem>> -> memref<128x128xf32, #tpu.memory_space<vmem>>
    %dma_start3A_872 = arith.constant 0 : i32
    %dma_start3A_873 = tpu.memref_slice %arg11[%add3A_865, %dma_start3A_872] : memref<16384x128xf32, #tpu.memory_space<hbm>> -> memref<128x128xf32, #tpu.memory_space<hbm>>
    %dma_start3A_874 = tpu.memref_slice %arg16[%dma_start3A_867] : memref<3x!tpu.dma_semaphore, #tpu.memory_space<semaphore_mem>> -> memref<1x!tpu.dma_semaphore, #tpu.memory_space<semaphore_mem>>
    %dma_start3A_875 = tpu.memref_squeeze %dma_start3A_874 : memref<1x!tpu.dma_semaphore, #tpu.memory_space<semaphore_mem>> -> memref<!tpu.dma_semaphore, #tpu.memory_space<semaphore_mem>>
    %dma_start3A_876 = arith.constant 0 : i32
    %dma_start3A_877 = tpu.memref_slice %arg11[%add3A_865, %dma_start3A_876] : memref<16384x128xf32, #tpu.memory_space<hbm>> -> memref<128x128xf32, #tpu.memory_space<hbm>>
    %dma_start3A_878 = arith.constant 0 : i32
    %dma_start3A_879 = arith.constant 0 : i32
    %dma_start3A_880 = tpu.memref_slice %arg14[%dma_start3A_866, %dma_start3A_878, %dma_start3A_879] : memref<3x128x128xf32, #tpu.memory_space<vmem>> -> memref<1x128x128xf32, #tpu.memory_space<vmem>>
    %dma_start3A_881 = tpu.memref_squeeze %dma_start3A_880 : memref<1x128x128xf32, #tpu.memory_space<vmem>> -> memref<128x128xf32, #tpu.memory_space<vmem>>
    tpu.enqueue_dma source(%dma_start3A_881 : memref<128x128xf32, #tpu.memory_space<vmem>>) target(%dma_start3A_877 : memref<128x128xf32, #tpu.memory_space<hbm>>) target_semaphore(%dma_start3A_875 : memref<!tpu.dma_semaphore, #tpu.memory_space<semaphore_mem>>)
    %dma_wait3A_882 = arith.constant 0 : i32
    %dma_wait3A_883 = arith.constant 0 : i32
    %dma_wait3A_884 = arith.constant 0 : i32
    %dma_wait3A_885 = arith.constant 0 : i32
    %dma_wait3A_886 = tpu.memref_slice %arg14[%dma_wait3A_882, %dma_wait3A_884, %dma_wait3A_885] : memref<3x128x128xf32, #tpu.memory_space<vmem>> -> memref<1x128x128xf32, #tpu.memory_space<vmem>>
    %dma_wait3A_887 = tpu.memref_squeeze %dma_wait3A_886 : memref<1x128x128xf32, #tpu.memory_space<vmem>> -> memref<128x128xf32, #tpu.memory_space<vmem>>
    %dma_wait3A_888 = arith.constant 0 : i32
    %dma_wait3A_889 = tpu.memref_slice %arg11[%add3A_801, %dma_wait3A_888] : memref<16384x128xf32, #tpu.memory_space<hbm>> -> memref<128x128xf32, #tpu.memory_space<hbm>>
    %dma_wait3A_890 = tpu.memref_slice %arg16[%dma_wait3A_883] : memref<3x!tpu.dma_semaphore, #tpu.memory_space<semaphore_mem>> -> memref<1x!tpu.dma_semaphore, #tpu.memory_space<semaphore_mem>>
    %dma_wait3A_891 = tpu.memref_squeeze %dma_wait3A_890 : memref<1x!tpu.dma_semaphore, #tpu.memory_space<semaphore_mem>> -> memref<!tpu.dma_semaphore, #tpu.memory_space<semaphore_mem>>
    %dma_wait3A_892 = arith.constant 0 : i32
    %dma_wait3A_893 = tpu.memref_slice %arg11[%add3A_801, %dma_wait3A_892] : memref<16384x128xf32, #tpu.memory_space<hbm>> -> memref<128x128xf32, #tpu.memory_space<hbm>>
    %dma_wait3A_894 = arith.constant 0 : i32
    %dma_wait3A_895 = arith.constant 0 : i32
    %dma_wait3A_896 = tpu.memref_slice %arg14[%dma_wait3A_882, %dma_wait3A_894, %dma_wait3A_895] : memref<3x128x128xf32, #tpu.memory_space<vmem>> -> memref<1x128x128xf32, #tpu.memory_space<vmem>>
    %dma_wait3A_897 = tpu.memref_squeeze %dma_wait3A_896 : memref<1x128x128xf32, #tpu.memory_space<vmem>> -> memref<128x128xf32, #tpu.memory_space<vmem>>
    tpu.wait_dma2 semaphore(%dma_wait3A_891 : memref<!tpu.dma_semaphore, #tpu.memory_space<semaphore_mem>>) src(%dma_wait3A_897 : memref<128x128xf32, #tpu.memory_space<vmem>>) dst(%dma_wait3A_893 : memref<128x128xf32, #tpu.memory_space<hbm>>)
    %dma_start3A_898 = arith.constant 3 : i32
    %dma_start3A_899 = arith.constant 0 : i32
    %dma_start3A_900 = arith.constant 0 : i32
    %dma_start3A_901 = arith.constant 0 : i32
    %dma_start3A_902 = arith.constant 0 : i32
    %dma_start3A_903 = tpu.memref_slice %arg14[%dma_start3A_899, %dma_start3A_901, %dma_start3A_902] : memref<3x128x128xf32, #tpu.memory_space<vmem>> -> memref<1x128x128xf32, #tpu.memory_space<vmem>>
    %dma_start3A_904 = tpu.memref_squeeze %dma_start3A_903 : memref<1x128x128xf32, #tpu.memory_space<vmem>> -> memref<128x128xf32, #tpu.memory_space<vmem>>
    %dma_start3A_905 = arith.constant 0 : i32
    %dma_start3A_906 = tpu.memref_slice %arg13[%dma_start3A_898, %dma_start3A_905] : memref<4x128xi32, #tpu.memory_space<vmem>> -> memref<1x128xi32, #tpu.memory_space<vmem>>
    %dma_start3A_907 = tpu.memref_squeeze %dma_start3A_906 : memref<1x128xi32, #tpu.memory_space<vmem>> -> memref<128xi32, #tpu.memory_space<vmem>>
    %dma_start3A_908 = arith.constant 0 : i32
    %dma_start3A_909 = arith.constant 0 : i32
    %dma_start3A_910 = tpu.memref_slice %arg7[%dma_start3A_908, %dma_start3A_909] : memref<253952x128xf32, #tpu.memory_space<hbm>> -> memref<253952x128xf32, #tpu.memory_space<hbm>>
    %dma_start3A_911 = tpu.memref_slice %arg15[%dma_start3A_900] : memref<3x!tpu.dma_semaphore, #tpu.memory_space<semaphore_mem>> -> memref<1x!tpu.dma_semaphore, #tpu.memory_space<semaphore_mem>>
    %dma_start3A_912 = tpu.memref_squeeze %dma_start3A_911 : memref<1x!tpu.dma_semaphore, #tpu.memory_space<semaphore_mem>> -> memref<!tpu.dma_semaphore, #tpu.memory_space<semaphore_mem>>
    tpu.enqueue_indirect_dma source(%dma_start3A_910 : memref<253952x128xf32, #tpu.memory_space<hbm>>) target(%dma_start3A_904 : memref<128x128xf32, #tpu.memory_space<vmem>>) offsets(%dma_start3A_907 : memref<128xi32, #tpu.memory_space<vmem>>) semaphore(%dma_start3A_912 : memref<!tpu.dma_semaphore, #tpu.memory_space<semaphore_mem>>)
    %dma_wait3A_913 = arith.constant 2 : i32
    %dma_wait3A_914 = arith.constant 2 : i32
    %dma_wait3A_915 = arith.constant 2 : i32
    %dma_wait3A_916 = arith.constant 0 : i32
    %dma_wait3A_917 = arith.constant 0 : i32
    %dma_wait3A_918 = tpu.memref_slice %arg14[%dma_wait3A_914, %dma_wait3A_916, %dma_wait3A_917] : memref<3x128x128xf32, #tpu.memory_space<vmem>> -> memref<1x128x128xf32, #tpu.memory_space<vmem>>
    %dma_wait3A_919 = tpu.memref_squeeze %dma_wait3A_918 : memref<1x128x128xf32, #tpu.memory_space<vmem>> -> memref<128x128xf32, #tpu.memory_space<vmem>>
    %dma_wait3A_920 = arith.constant 0 : i32
    %dma_wait3A_921 = tpu.memref_slice %arg13[%dma_wait3A_913, %dma_wait3A_920] : memref<4x128xi32, #tpu.memory_space<vmem>> -> memref<1x128xi32, #tpu.memory_space<vmem>>
    %dma_wait3A_922 = tpu.memref_squeeze %dma_wait3A_921 : memref<1x128xi32, #tpu.memory_space<vmem>> -> memref<128xi32, #tpu.memory_space<vmem>>
    %dma_wait3A_923 = arith.constant 0 : i32
    %dma_wait3A_924 = arith.constant 0 : i32
    %dma_wait3A_925 = tpu.memref_slice %arg7[%dma_wait3A_923, %dma_wait3A_924] : memref<253952x128xf32, #tpu.memory_space<hbm>> -> memref<253952x128xf32, #tpu.memory_space<hbm>>
    %dma_wait3A_926 = tpu.memref_slice %arg15[%dma_wait3A_915] : memref<3x!tpu.dma_semaphore, #tpu.memory_space<semaphore_mem>> -> memref<1x!tpu.dma_semaphore, #tpu.memory_space<semaphore_mem>>
    %dma_wait3A_927 = tpu.memref_squeeze %dma_wait3A_926 : memref<1x!tpu.dma_semaphore, #tpu.memory_space<semaphore_mem>> -> memref<!tpu.dma_semaphore, #tpu.memory_space<semaphore_mem>>
    tpu.wait_indirect_dma semaphore(%dma_wait3A_927 : memref<!tpu.dma_semaphore, #tpu.memory_space<semaphore_mem>>) src(%dma_wait3A_925 : memref<253952x128xf32, #tpu.memory_space<hbm>>) dst(%dma_wait3A_919 : memref<128x128xf32, #tpu.memory_space<vmem>>)
    %add3A_928 = arith.constant 256 : i32
    %add3A_929 = arith.addi %mul3A_4, %add3A_928 : i32
    %dma_start3A_930 = arith.constant 2 : i32
    %dma_start3A_931 = arith.constant 2 : i32
    %dma_start3A_932 = arith.constant 0 : i32
    %dma_start3A_933 = arith.constant 0 : i32
    %dma_start3A_934 = tpu.memref_slice %arg14[%dma_start3A_930, %dma_start3A_932, %dma_start3A_933] : memref<3x128x128xf32, #tpu.memory_space<vmem>> -> memref<1x128x128xf32, #tpu.memory_space<vmem>>
    %dma_start3A_935 = tpu.memref_squeeze %dma_start3A_934 : memref<1x128x128xf32, #tpu.memory_space<vmem>> -> memref<128x128xf32, #tpu.memory_space<vmem>>
    %dma_start3A_936 = arith.constant 0 : i32
    %dma_start3A_937 = tpu.memref_slice %arg11[%add3A_929, %dma_start3A_936] : memref<16384x128xf32, #tpu.memory_space<hbm>> -> memref<128x128xf32, #tpu.memory_space<hbm>>
    %dma_start3A_938 = tpu.memref_slice %arg16[%dma_start3A_931] : memref<3x!tpu.dma_semaphore, #tpu.memory_space<semaphore_mem>> -> memref<1x!tpu.dma_semaphore, #tpu.memory_space<semaphore_mem>>
    %dma_start3A_939 = tpu.memref_squeeze %dma_start3A_938 : memref<1x!tpu.dma_semaphore, #tpu.memory_space<semaphore_mem>> -> memref<!tpu.dma_semaphore, #tpu.memory_space<semaphore_mem>>
    %dma_start3A_940 = arith.constant 0 : i32
    %dma_start3A_941 = tpu.memref_slice %arg11[%add3A_929, %dma_start3A_940] : memref<16384x128xf32, #tpu.memory_space<hbm>> -> memref<128x128xf32, #tpu.memory_space<hbm>>
    %dma_start3A_942 = arith.constant 0 : i32
    %dma_start3A_943 = arith.constant 0 : i32
    %dma_start3A_944 = tpu.memref_slice %arg14[%dma_start3A_930, %dma_start3A_942, %dma_start3A_943] : memref<3x128x128xf32, #tpu.memory_space<vmem>> -> memref<1x128x128xf32, #tpu.memory_space<vmem>>
    %dma_start3A_945 = tpu.memref_squeeze %dma_start3A_944 : memref<1x128x128xf32, #tpu.memory_space<vmem>> -> memref<128x128xf32, #tpu.memory_space<vmem>>
    tpu.enqueue_dma source(%dma_start3A_945 : memref<128x128xf32, #tpu.memory_space<vmem>>) target(%dma_start3A_941 : memref<128x128xf32, #tpu.memory_space<hbm>>) target_semaphore(%dma_start3A_939 : memref<!tpu.dma_semaphore, #tpu.memory_space<semaphore_mem>>)
    %dma_wait3A_946 = arith.constant 3 : i32
    %dma_wait3A_947 = arith.constant 0 : i32
    %dma_wait3A_948 = arith.constant 0 : i32
    %dma_wait3A_949 = arith.constant 0 : i32
    %dma_wait3A_950 = arith.constant 0 : i32
    %dma_wait3A_951 = tpu.memref_slice %arg14[%dma_wait3A_947, %dma_wait3A_949, %dma_wait3A_950] : memref<3x128x128xf32, #tpu.memory_space<vmem>> -> memref<1x128x128xf32, #tpu.memory_space<vmem>>
    %dma_wait3A_952 = tpu.memref_squeeze %dma_wait3A_951 : memref<1x128x128xf32, #tpu.memory_space<vmem>> -> memref<128x128xf32, #tpu.memory_space<vmem>>
    %dma_wait3A_953 = arith.constant 0 : i32
    %dma_wait3A_954 = tpu.memref_slice %arg13[%dma_wait3A_946, %dma_wait3A_953] : memref<4x128xi32, #tpu.memory_space<vmem>> -> memref<1x128xi32, #tpu.memory_space<vmem>>
    %dma_wait3A_955 = tpu.memref_squeeze %dma_wait3A_954 : memref<1x128xi32, #tpu.memory_space<vmem>> -> memref<128xi32, #tpu.memory_space<vmem>>
    %dma_wait3A_956 = arith.constant 0 : i32
    %dma_wait3A_957 = arith.constant 0 : i32
    %dma_wait3A_958 = tpu.memref_slice %arg7[%dma_wait3A_956, %dma_wait3A_957] : memref<253952x128xf32, #tpu.memory_space<hbm>> -> memref<253952x128xf32, #tpu.memory_space<hbm>>
    %dma_wait3A_959 = tpu.memref_slice %arg15[%dma_wait3A_948] : memref<3x!tpu.dma_semaphore, #tpu.memory_space<semaphore_mem>> -> memref<1x!tpu.dma_semaphore, #tpu.memory_space<semaphore_mem>>
    %dma_wait3A_960 = tpu.memref_squeeze %dma_wait3A_959 : memref<1x!tpu.dma_semaphore, #tpu.memory_space<semaphore_mem>> -> memref<!tpu.dma_semaphore, #tpu.memory_space<semaphore_mem>>
    tpu.wait_indirect_dma semaphore(%dma_wait3A_960 : memref<!tpu.dma_semaphore, #tpu.memory_space<semaphore_mem>>) src(%dma_wait3A_958 : memref<253952x128xf32, #tpu.memory_space<hbm>>) dst(%dma_wait3A_952 : memref<128x128xf32, #tpu.memory_space<vmem>>)
    %add3A_961 = arith.constant 384 : i32
    %add3A_962 = arith.addi %mul3A_4, %add3A_961 : i32
    %dma_start3A_963 = arith.constant 0 : i32
    %dma_start3A_964 = arith.constant 0 : i32
    %dma_start3A_965 = arith.constant 0 : i32
    %dma_start3A_966 = arith.constant 0 : i32
    %dma_start3A_967 = tpu.memref_slice %arg14[%dma_start3A_963, %dma_start3A_965, %dma_start3A_966] : memref<3x128x128xf32, #tpu.memory_space<vmem>> -> memref<1x128x128xf32, #tpu.memory_space<vmem>>
    %dma_start3A_968 = tpu.memref_squeeze %dma_start3A_967 : memref<1x128x128xf32, #tpu.memory_space<vmem>> -> memref<128x128xf32, #tpu.memory_space<vmem>>
    %dma_start3A_969 = arith.constant 0 : i32
    %dma_start3A_970 = tpu.memref_slice %arg11[%add3A_962, %dma_start3A_969] : memref<16384x128xf32, #tpu.memory_space<hbm>> -> memref<128x128xf32, #tpu.memory_space<hbm>>
    %dma_start3A_971 = tpu.memref_slice %arg16[%dma_start3A_964] : memref<3x!tpu.dma_semaphore, #tpu.memory_space<semaphore_mem>> -> memref<1x!tpu.dma_semaphore, #tpu.memory_space<semaphore_mem>>
    %dma_start3A_972 = tpu.memref_squeeze %dma_start3A_971 : memref<1x!tpu.dma_semaphore, #tpu.memory_space<semaphore_mem>> -> memref<!tpu.dma_semaphore, #tpu.memory_space<semaphore_mem>>
    %dma_start3A_973 = arith.constant 0 : i32
    %dma_start3A_974 = tpu.memref_slice %arg11[%add3A_962, %dma_start3A_973] : memref<16384x128xf32, #tpu.memory_space<hbm>> -> memref<128x128xf32, #tpu.memory_space<hbm>>
    %dma_start3A_975 = arith.constant 0 : i32
    %dma_start3A_976 = arith.constant 0 : i32
    %dma_start3A_977 = tpu.memref_slice %arg14[%dma_start3A_963, %dma_start3A_975, %dma_start3A_976] : memref<3x128x128xf32, #tpu.memory_space<vmem>> -> memref<1x128x128xf32, #tpu.memory_space<vmem>>
    %dma_start3A_978 = tpu.memref_squeeze %dma_start3A_977 : memref<1x128x128xf32, #tpu.memory_space<vmem>> -> memref<128x128xf32, #tpu.memory_space<vmem>>
    tpu.enqueue_dma source(%dma_start3A_978 : memref<128x128xf32, #tpu.memory_space<vmem>>) target(%dma_start3A_974 : memref<128x128xf32, #tpu.memory_space<hbm>>) target_semaphore(%dma_start3A_972 : memref<!tpu.dma_semaphore, #tpu.memory_space<semaphore_mem>>)
    %dma_wait3A_979 = arith.constant 2 : i32
    %dma_wait3A_980 = arith.constant 2 : i32
    %dma_wait3A_981 = arith.constant 0 : i32
    %dma_wait3A_982 = arith.constant 0 : i32
    %dma_wait3A_983 = tpu.memref_slice %arg14[%dma_wait3A_979, %dma_wait3A_981, %dma_wait3A_982] : memref<3x128x128xf32, #tpu.memory_space<vmem>> -> memref<1x128x128xf32, #tpu.memory_space<vmem>>
    %dma_wait3A_984 = tpu.memref_squeeze %dma_wait3A_983 : memref<1x128x128xf32, #tpu.memory_space<vmem>> -> memref<128x128xf32, #tpu.memory_space<vmem>>
    %dma_wait3A_985 = arith.constant 0 : i32
    %dma_wait3A_986 = tpu.memref_slice %arg11[%add3A_929, %dma_wait3A_985] : memref<16384x128xf32, #tpu.memory_space<hbm>> -> memref<128x128xf32, #tpu.memory_space<hbm>>
    %dma_wait3A_987 = tpu.memref_slice %arg16[%dma_wait3A_980] : memref<3x!tpu.dma_semaphore, #tpu.memory_space<semaphore_mem>> -> memref<1x!tpu.dma_semaphore, #tpu.memory_space<semaphore_mem>>
    %dma_wait3A_988 = tpu.memref_squeeze %dma_wait3A_987 : memref<1x!tpu.dma_semaphore, #tpu.memory_space<semaphore_mem>> -> memref<!tpu.dma_semaphore, #tpu.memory_space<semaphore_mem>>
    %dma_wait3A_989 = arith.constant 0 : i32
    %dma_wait3A_990 = tpu.memref_slice %arg11[%add3A_929, %dma_wait3A_989] : memref<16384x128xf32, #tpu.memory_space<hbm>> -> memref<128x128xf32, #tpu.memory_space<hbm>>
    %dma_wait3A_991 = arith.constant 0 : i32
    %dma_wait3A_992 = arith.constant 0 : i32
    %dma_wait3A_993 = tpu.memref_slice %arg14[%dma_wait3A_979, %dma_wait3A_991, %dma_wait3A_992] : memref<3x128x128xf32, #tpu.memory_space<vmem>> -> memref<1x128x128xf32, #tpu.memory_space<vmem>>
    %dma_wait3A_994 = tpu.memref_squeeze %dma_wait3A_993 : memref<1x128x128xf32, #tpu.memory_space<vmem>> -> memref<128x128xf32, #tpu.memory_space<vmem>>
    tpu.wait_dma2 semaphore(%dma_wait3A_988 : memref<!tpu.dma_semaphore, #tpu.memory_space<semaphore_mem>>) src(%dma_wait3A_994 : memref<128x128xf32, #tpu.memory_space<vmem>>) dst(%dma_wait3A_990 : memref<128x128xf32, #tpu.memory_space<hbm>>)
    %dma_wait3A_995 = arith.constant 0 : i32
    %dma_wait3A_996 = arith.constant 0 : i32
    %dma_wait3A_997 = arith.constant 0 : i32
    %dma_wait3A_998 = arith.constant 0 : i32
    %dma_wait3A_999 = tpu.memref_slice %arg14[%dma_wait3A_995, %dma_wait3A_997, %dma_wait3A_998] : memref<3x128x128xf32, #tpu.memory_space<vmem>> -> memref<1x128x128xf32, #tpu.memory_space<vmem>>
    %dma_wait3A_1000 = tpu.memref_squeeze %dma_wait3A_999 : memref<1x128x128xf32, #tpu.memory_space<vmem>> -> memref<128x128xf32, #tpu.memory_space<vmem>>
    %dma_wait3A_1001 = arith.constant 0 : i32
    %dma_wait3A_1002 = tpu.memref_slice %arg11[%add3A_962, %dma_wait3A_1001] : memref<16384x128xf32, #tpu.memory_space<hbm>> -> memref<128x128xf32, #tpu.memory_space<hbm>>
    %dma_wait3A_1003 = tpu.memref_slice %arg16[%dma_wait3A_996] : memref<3x!tpu.dma_semaphore, #tpu.memory_space<semaphore_mem>> -> memref<1x!tpu.dma_semaphore, #tpu.memory_space<semaphore_mem>>
    %dma_wait3A_1004 = tpu.memref_squeeze %dma_wait3A_1003 : memref<1x!tpu.dma_semaphore, #tpu.memory_space<semaphore_mem>> -> memref<!tpu.dma_semaphore, #tpu.memory_space<semaphore_mem>>
    %dma_wait3A_1005 = arith.constant 0 : i32
    %dma_wait3A_1006 = tpu.memref_slice %arg11[%add3A_962, %dma_wait3A_1005] : memref<16384x128xf32, #tpu.memory_space<hbm>> -> memref<128x128xf32, #tpu.memory_space<hbm>>
    %dma_wait3A_1007 = arith.constant 0 : i32
    %dma_wait3A_1008 = arith.constant 0 : i32
    %dma_wait3A_1009 = tpu.memref_slice %arg14[%dma_wait3A_995, %dma_wait3A_1007, %dma_wait3A_1008] : memref<3x128x128xf32, #tpu.memory_space<vmem>> -> memref<1x128x128xf32, #tpu.memory_space<vmem>>
    %dma_wait3A_1010 = tpu.memref_squeeze %dma_wait3A_1009 : memref<1x128x128xf32, #tpu.memory_space<vmem>> -> memref<128x128xf32, #tpu.memory_space<vmem>>
    tpu.wait_dma2 semaphore(%dma_wait3A_1004 : memref<!tpu.dma_semaphore, #tpu.memory_space<semaphore_mem>>) src(%dma_wait3A_1010 : memref<128x128xf32, #tpu.memory_space<vmem>>) dst(%dma_wait3A_1006 : memref<128x128xf32, #tpu.memory_space<hbm>>)
    return
  }
}

module attributes {stable_mosaic.version = 14 : i64} {
  func.func @_repack_tc(%arg0: i32, %arg1: memref<32x32768xf32, #tpu.memory_space<vmem>>, %arg2: memref<8192x128xf32, #tpu.memory_space<vmem>>) attributes {dimension_semantics = [#tpu.dimension_semantics<arbitrary>], iteration_bounds = array<i64: 31>, scalar_prefetch = 0 : i64, scratch_operands = 0 : i64, tpu.core_type = #tpu.core_type<tc>, window_params = [{transform_indices = @transform_0, window_bounds = array<i64: 32, 32768>}, {transform_indices = @transform_1, window_bounds = array<i64: 8192, 128>}]} {
    %get3A = arith.constant 0 : index
    %get3A_0 = arith.constant 0 : index
    %get3A_1 = vector.load %arg1[%get3A, %get3A_0] : memref<32x32768xf32, #tpu.memory_space<vmem>>, vector<32x8192xf32>
    %transpose3A = tpu.transpose %get3A_1, [1, 0] : vector<32x8192xf32> -> vector<8192x32xf32>
    %get3A_2 = arith.constant 0 : index
    %get3A_3 = arith.constant 8192 : index
    %get3A_4 = vector.load %arg1[%get3A_2, %get3A_3] : memref<32x32768xf32, #tpu.memory_space<vmem>>, vector<32x8192xf32>
    %transpose3A_5 = tpu.transpose %get3A_4, [1, 0] : vector<32x8192xf32> -> vector<8192x32xf32>
    %get3A_6 = arith.constant 0 : index
    %get3A_7 = arith.constant 16384 : index
    %get3A_8 = vector.load %arg1[%get3A_6, %get3A_7] : memref<32x32768xf32, #tpu.memory_space<vmem>>, vector<32x8192xf32>
    %transpose3A_9 = tpu.transpose %get3A_8, [1, 0] : vector<32x8192xf32> -> vector<8192x32xf32>
    %get3A_10 = arith.constant 0 : index
    %get3A_11 = arith.constant 24576 : index
    %get3A_12 = vector.load %arg1[%get3A_10, %get3A_11] : memref<32x32768xf32, #tpu.memory_space<vmem>>, vector<32x8192xf32>
    %transpose3A_13 = tpu.transpose %get3A_12, [1, 0] : vector<32x8192xf32> -> vector<8192x32xf32>
    %concatenate3A = tpu.concatenate %transpose3A, %transpose3A_5, %transpose3A_9, %transpose3A_13 in 1 : vector<8192x32xf32>, vector<8192x32xf32>, vector<8192x32xf32>, vector<8192x32xf32> -> vector<8192x128xf32>
    %swap3A = arith.constant 0 : index
    %swap3A_14 = arith.constant 0 : index
    %swap3A_15 = vector.load %arg2[%swap3A, %swap3A_14] : memref<8192x128xf32, #tpu.memory_space<vmem>>, vector<8192x128xf32>
    tpu.vector_store %arg2[%swap3A, %swap3A_14], %concatenate3A {strides = array<i32>} : memref<8192x128xf32, #tpu.memory_space<vmem>>, vector<8192x128xf32>,
    return
  }
  func.func @transform_0(%arg0: i32) -> (i32, i32) {
    %c0_i32 = arith.constant 0 : i32
    %c0_i32_0 = arith.constant 0 : i32
    return %c0_i32, %arg0 : i32, i32
  }
  func.func @transform_1(%arg0: i32) -> (i32, i32) {
    %c0_i32 = arith.constant 0 : i32
    %c0_i32_0 = arith.constant 0 : i32
    return %arg0, %c0_i32 : i32, i32
  }
}

module attributes {stable_mosaic.version = 14 : i64} {
  func.func @_dense_tc(%arg0: i32, %arg1: memref<2048x1xi32, #tpu.memory_space<vmem>>, %arg2: memref<2048x1xi32, #tpu.memory_space<vmem>>, %arg3: memref<2048x128xf32, #tpu.memory_space<vmem>>, %arg4: memref<2048x128xf32, #tpu.memory_space<vmem>>, %arg5: memref<2048x128xf32, #tpu.memory_space<vmem>>, %arg6: memref<2048x128xf32, #tpu.memory_space<vmem>>, %arg7: memref<32x32xf32, #tpu.memory_space<vmem>>, %arg8: memref<32x32xf32, #tpu.memory_space<vmem>>, %arg9: memref<1x32xf32, #tpu.memory_space<vmem>>, %arg10: memref<32x16xf32, #tpu.memory_space<vmem>>, %arg11: memref<1x16xf32, #tpu.memory_space<vmem>>, %arg12: memref<1x32xf32, #tpu.memory_space<vmem>>, %arg13: memref<1x16xf32, #tpu.memory_space<vmem>>, %arg14: memref<1x1xf32, #tpu.memory_space<vmem>>, %arg15: memref<2048xf32, #tpu.memory_space<vmem>>) attributes {dimension_semantics = [#tpu.dimension_semantics<arbitrary>], iteration_bounds = array<i64: 8>, scalar_prefetch = 0 : i64, scratch_operands = 0 : i64, tpu.core_type = #tpu.core_type<tc>, window_params = [{transform_indices = @transform_0, window_bounds = array<i64: 2048, 1>}, {transform_indices = @transform_1, window_bounds = array<i64: 2048, 1>}, {transform_indices = @transform_2, window_bounds = array<i64: 2048, 128>}, {transform_indices = @transform_3, window_bounds = array<i64: 2048, 128>}, {transform_indices = @transform_4, window_bounds = array<i64: 2048, 128>}, {transform_indices = @transform_5, window_bounds = array<i64: 2048, 128>}, {pipeline_mode = #tpu.pipeline_mode<synchronous>, transform_indices = @transform_6, window_bounds = array<i64: 32, 32>}, {pipeline_mode = #tpu.pipeline_mode<synchronous>, transform_indices = @transform_7, window_bounds = array<i64: 32, 32>}, {pipeline_mode = #tpu.pipeline_mode<synchronous>, transform_indices = @transform_8, window_bounds = array<i64: 1, 32>}, {pipeline_mode = #tpu.pipeline_mode<synchronous>, transform_indices = @transform_9, window_bounds = array<i64: 32, 16>}, {pipeline_mode = #tpu.pipeline_mode<synchronous>, transform_indices = @transform_10, window_bounds = array<i64: 1, 16>}, {pipeline_mode = #tpu.pipeline_mode<synchronous>, transform_indices = @transform_11, window_bounds = array<i64: 1, 32>}, {pipeline_mode = #tpu.pipeline_mode<synchronous>, transform_indices = @transform_12, window_bounds = array<i64: 1, 16>}, {pipeline_mode = #tpu.pipeline_mode<synchronous>, transform_indices = @transform_13, window_bounds = array<i64: 1, 1>}, {transform_indices = @transform_14, window_bounds = array<i64: 2048>}]} {
    %get3A = arith.constant 0 : index
    %get3A_0 = arith.constant 0 : index
    %get3A_1 = vector.load %arg1[%get3A, %get3A_0] : memref<2048x1xi32, #tpu.memory_space<vmem>>, vector<2048x1xi32>
    %get3A_2 = arith.constant 0 : index
    %get3A_3 = arith.constant 0 : index
    %get3A_4 = vector.load %arg2[%get3A_2, %get3A_3] : memref<2048x1xi32, #tpu.memory_space<vmem>>, vector<2048x1xi32>
    %get3A_5 = arith.constant 0 : index
    %get3A_6 = arith.constant 0 : index
    %get3A_7 = vector.load %arg3[%get3A_5, %get3A_6] : memref<2048x128xf32, #tpu.memory_space<vmem>>, vector<2048x128xf32>
    %eq3A = arith.constant 0 : i32
    %eq3A_8 = vector.broadcast %eq3A : i32 to vector<2048x1xi32>
    %eq3A_9 = arith.cmpi eq, %get3A_1, %eq3A_8 : vector<2048x1xi32>
    %slice3A = vector.extract_strided_slice %get3A_7 {offsets = [0, 0], sizes = [2048, 32], strides = [1, 1]} : vector<2048x128xf32> to vector<2048x32xf32>
    %jit3A = arith.constant 0.000000e+00 : f32
    %broadcast_in_dim3A = vector.shape_cast %eq3A_9 : vector<2048x1xi1> to vector<2048x1xi1>
    %broadcast_in_dim3A_10 = vector.broadcast %broadcast_in_dim3A : vector<2048x1xi1> to vector<2048x32xi1>
    %broadcast_in_dim3A_11 = vector.broadcast %jit3A : f32 to vector<2048x32xf32>
    %select_n3A = arith.select %broadcast_in_dim3A_10, %slice3A, %broadcast_in_dim3A_11 : vector<2048x32xi1>, vector<2048x32xf32>
    %eq3A_12 = arith.constant 1 : i32
    %eq3A_13 = vector.broadcast %eq3A_12 : i32 to vector<2048x1xi32>
    %eq3A_14 = arith.cmpi eq, %get3A_1, %eq3A_13 : vector<2048x1xi32>
    %slice3A_15 = vector.extract_strided_slice %get3A_7 {offsets = [0, 32], sizes = [2048, 32], strides = [1, 1]} : vector<2048x128xf32> to vector<2048x32xf32>
    %jit3A_16 = arith.constant 0.000000e+00 : f32
    %broadcast_in_dim3A_17 = vector.shape_cast %eq3A_14 : vector<2048x1xi1> to vector<2048x1xi1>
    %broadcast_in_dim3A_18 = vector.broadcast %broadcast_in_dim3A_17 : vector<2048x1xi1> to vector<2048x32xi1>
    %broadcast_in_dim3A_19 = vector.broadcast %jit3A_16 : f32 to vector<2048x32xf32>
    %select_n3A_20 = arith.select %broadcast_in_dim3A_18, %slice3A_15, %broadcast_in_dim3A_19 : vector<2048x32xi1>, vector<2048x32xf32>
    %add3A = arith.addf %select_n3A, %select_n3A_20 : vector<2048x32xf32>
    %eq3A_21 = arith.constant 2 : i32
    %eq3A_22 = vector.broadcast %eq3A_21 : i32 to vector<2048x1xi32>
    %eq3A_23 = arith.cmpi eq, %get3A_1, %eq3A_22 : vector<2048x1xi32>
    %slice3A_24 = vector.extract_strided_slice %get3A_7 {offsets = [0, 64], sizes = [2048, 32], strides = [1, 1]} : vector<2048x128xf32> to vector<2048x32xf32>
    %jit3A_25 = arith.constant 0.000000e+00 : f32
    %broadcast_in_dim3A_26 = vector.shape_cast %eq3A_23 : vector<2048x1xi1> to vector<2048x1xi1>
    %broadcast_in_dim3A_27 = vector.broadcast %broadcast_in_dim3A_26 : vector<2048x1xi1> to vector<2048x32xi1>
    %broadcast_in_dim3A_28 = vector.broadcast %jit3A_25 : f32 to vector<2048x32xf32>
    %select_n3A_29 = arith.select %broadcast_in_dim3A_27, %slice3A_24, %broadcast_in_dim3A_28 : vector<2048x32xi1>, vector<2048x32xf32>
    %add3A_30 = arith.addf %add3A, %select_n3A_29 : vector<2048x32xf32>
    %eq3A_31 = arith.constant 3 : i32
    %eq3A_32 = vector.broadcast %eq3A_31 : i32 to vector<2048x1xi32>
    %eq3A_33 = arith.cmpi eq, %get3A_1, %eq3A_32 : vector<2048x1xi32>
    %slice3A_34 = vector.extract_strided_slice %get3A_7 {offsets = [0, 96], sizes = [2048, 32], strides = [1, 1]} : vector<2048x128xf32> to vector<2048x32xf32>
    %jit3A_35 = arith.constant 0.000000e+00 : f32
    %broadcast_in_dim3A_36 = vector.shape_cast %eq3A_33 : vector<2048x1xi1> to vector<2048x1xi1>
    %broadcast_in_dim3A_37 = vector.broadcast %broadcast_in_dim3A_36 : vector<2048x1xi1> to vector<2048x32xi1>
    %broadcast_in_dim3A_38 = vector.broadcast %jit3A_35 : f32 to vector<2048x32xf32>
    %select_n3A_39 = arith.select %broadcast_in_dim3A_37, %slice3A_34, %broadcast_in_dim3A_38 : vector<2048x32xi1>, vector<2048x32xf32>
    %add3A_40 = arith.addf %add3A_30, %select_n3A_39 : vector<2048x32xf32>
    %get3A_41 = arith.constant 0 : index
    %get3A_42 = arith.constant 0 : index
    %get3A_43 = vector.load %arg4[%get3A_41, %get3A_42] : memref<2048x128xf32, #tpu.memory_space<vmem>>, vector<2048x128xf32>
    %eq3A_44 = arith.constant 0 : i32
    %eq3A_45 = vector.broadcast %eq3A_44 : i32 to vector<2048x1xi32>
    %eq3A_46 = arith.cmpi eq, %get3A_4, %eq3A_45 : vector<2048x1xi32>
    %slice3A_47 = vector.extract_strided_slice %get3A_43 {offsets = [0, 0], sizes = [2048, 32], strides = [1, 1]} : vector<2048x128xf32> to vector<2048x32xf32>
    %jit3A_48 = arith.constant 0.000000e+00 : f32
    %broadcast_in_dim3A_49 = vector.shape_cast %eq3A_46 : vector<2048x1xi1> to vector<2048x1xi1>
    %broadcast_in_dim3A_50 = vector.broadcast %broadcast_in_dim3A_49 : vector<2048x1xi1> to vector<2048x32xi1>
    %broadcast_in_dim3A_51 = vector.broadcast %jit3A_48 : f32 to vector<2048x32xf32>
    %select_n3A_52 = arith.select %broadcast_in_dim3A_50, %slice3A_47, %broadcast_in_dim3A_51 : vector<2048x32xi1>, vector<2048x32xf32>
    %eq3A_53 = arith.constant 1 : i32
    %eq3A_54 = vector.broadcast %eq3A_53 : i32 to vector<2048x1xi32>
    %eq3A_55 = arith.cmpi eq, %get3A_4, %eq3A_54 : vector<2048x1xi32>
    %slice3A_56 = vector.extract_strided_slice %get3A_43 {offsets = [0, 32], sizes = [2048, 32], strides = [1, 1]} : vector<2048x128xf32> to vector<2048x32xf32>
    %jit3A_57 = arith.constant 0.000000e+00 : f32
    %broadcast_in_dim3A_58 = vector.shape_cast %eq3A_55 : vector<2048x1xi1> to vector<2048x1xi1>
    %broadcast_in_dim3A_59 = vector.broadcast %broadcast_in_dim3A_58 : vector<2048x1xi1> to vector<2048x32xi1>
    %broadcast_in_dim3A_60 = vector.broadcast %jit3A_57 : f32 to vector<2048x32xf32>
    %select_n3A_61 = arith.select %broadcast_in_dim3A_59, %slice3A_56, %broadcast_in_dim3A_60 : vector<2048x32xi1>, vector<2048x32xf32>
    %add3A_62 = arith.addf %select_n3A_52, %select_n3A_61 : vector<2048x32xf32>
    %eq3A_63 = arith.constant 2 : i32
    %eq3A_64 = vector.broadcast %eq3A_63 : i32 to vector<2048x1xi32>
    %eq3A_65 = arith.cmpi eq, %get3A_4, %eq3A_64 : vector<2048x1xi32>
    %slice3A_66 = vector.extract_strided_slice %get3A_43 {offsets = [0, 64], sizes = [2048, 32], strides = [1, 1]} : vector<2048x128xf32> to vector<2048x32xf32>
    %jit3A_67 = arith.constant 0.000000e+00 : f32
    %broadcast_in_dim3A_68 = vector.shape_cast %eq3A_65 : vector<2048x1xi1> to vector<2048x1xi1>
    %broadcast_in_dim3A_69 = vector.broadcast %broadcast_in_dim3A_68 : vector<2048x1xi1> to vector<2048x32xi1>
    %broadcast_in_dim3A_70 = vector.broadcast %jit3A_67 : f32 to vector<2048x32xf32>
    %select_n3A_71 = arith.select %broadcast_in_dim3A_69, %slice3A_66, %broadcast_in_dim3A_70 : vector<2048x32xi1>, vector<2048x32xf32>
    %add3A_72 = arith.addf %add3A_62, %select_n3A_71 : vector<2048x32xf32>
    %eq3A_73 = arith.constant 3 : i32
    %eq3A_74 = vector.broadcast %eq3A_73 : i32 to vector<2048x1xi32>
    %eq3A_75 = arith.cmpi eq, %get3A_4, %eq3A_74 : vector<2048x1xi32>
    %slice3A_76 = vector.extract_strided_slice %get3A_43 {offsets = [0, 96], sizes = [2048, 32], strides = [1, 1]} : vector<2048x128xf32> to vector<2048x32xf32>
    %jit3A_77 = arith.constant 0.000000e+00 : f32
    %broadcast_in_dim3A_78 = vector.shape_cast %eq3A_75 : vector<2048x1xi1> to vector<2048x1xi1>
    %broadcast_in_dim3A_79 = vector.broadcast %broadcast_in_dim3A_78 : vector<2048x1xi1> to vector<2048x32xi1>
    %broadcast_in_dim3A_80 = vector.broadcast %jit3A_77 : f32 to vector<2048x32xf32>
    %select_n3A_81 = arith.select %broadcast_in_dim3A_79, %slice3A_76, %broadcast_in_dim3A_80 : vector<2048x32xi1>, vector<2048x32xf32>
    %add3A_82 = arith.addf %add3A_72, %select_n3A_81 : vector<2048x32xf32>
    %get3A_83 = arith.constant 0 : index
    %get3A_84 = arith.constant 0 : index
    %get3A_85 = vector.load %arg5[%get3A_83, %get3A_84] : memref<2048x128xf32, #tpu.memory_space<vmem>>, vector<2048x128xf32>
    %eq3A_86 = arith.constant 0 : i32
    %eq3A_87 = vector.broadcast %eq3A_86 : i32 to vector<2048x1xi32>
    %eq3A_88 = arith.cmpi eq, %get3A_1, %eq3A_87 : vector<2048x1xi32>
    %slice3A_89 = vector.extract_strided_slice %get3A_85 {offsets = [0, 0], sizes = [2048, 32], strides = [1, 1]} : vector<2048x128xf32> to vector<2048x32xf32>
    %jit3A_90 = arith.constant 0.000000e+00 : f32
    %broadcast_in_dim3A_91 = vector.shape_cast %eq3A_88 : vector<2048x1xi1> to vector<2048x1xi1>
    %broadcast_in_dim3A_92 = vector.broadcast %broadcast_in_dim3A_91 : vector<2048x1xi1> to vector<2048x32xi1>
    %broadcast_in_dim3A_93 = vector.broadcast %jit3A_90 : f32 to vector<2048x32xf32>
    %select_n3A_94 = arith.select %broadcast_in_dim3A_92, %slice3A_89, %broadcast_in_dim3A_93 : vector<2048x32xi1>, vector<2048x32xf32>
    %eq3A_95 = arith.constant 1 : i32
    %eq3A_96 = vector.broadcast %eq3A_95 : i32 to vector<2048x1xi32>
    %eq3A_97 = arith.cmpi eq, %get3A_1, %eq3A_96 : vector<2048x1xi32>
    %slice3A_98 = vector.extract_strided_slice %get3A_85 {offsets = [0, 32], sizes = [2048, 32], strides = [1, 1]} : vector<2048x128xf32> to vector<2048x32xf32>
    %jit3A_99 = arith.constant 0.000000e+00 : f32
    %broadcast_in_dim3A_100 = vector.shape_cast %eq3A_97 : vector<2048x1xi1> to vector<2048x1xi1>
    %broadcast_in_dim3A_101 = vector.broadcast %broadcast_in_dim3A_100 : vector<2048x1xi1> to vector<2048x32xi1>
    %broadcast_in_dim3A_102 = vector.broadcast %jit3A_99 : f32 to vector<2048x32xf32>
    %select_n3A_103 = arith.select %broadcast_in_dim3A_101, %slice3A_98, %broadcast_in_dim3A_102 : vector<2048x32xi1>, vector<2048x32xf32>
    %add3A_104 = arith.addf %select_n3A_94, %select_n3A_103 : vector<2048x32xf32>
    %eq3A_105 = arith.constant 2 : i32
    %eq3A_106 = vector.broadcast %eq3A_105 : i32 to vector<2048x1xi32>
    %eq3A_107 = arith.cmpi eq, %get3A_1, %eq3A_106 : vector<2048x1xi32>
    %slice3A_108 = vector.extract_strided_slice %get3A_85 {offsets = [0, 64], sizes = [2048, 32], strides = [1, 1]} : vector<2048x128xf32> to vector<2048x32xf32>
    %jit3A_109 = arith.constant 0.000000e+00 : f32
    %broadcast_in_dim3A_110 = vector.shape_cast %eq3A_107 : vector<2048x1xi1> to vector<2048x1xi1>
    %broadcast_in_dim3A_111 = vector.broadcast %broadcast_in_dim3A_110 : vector<2048x1xi1> to vector<2048x32xi1>
    %broadcast_in_dim3A_112 = vector.broadcast %jit3A_109 : f32 to vector<2048x32xf32>
    %select_n3A_113 = arith.select %broadcast_in_dim3A_111, %slice3A_108, %broadcast_in_dim3A_112 : vector<2048x32xi1>, vector<2048x32xf32>
    %add3A_114 = arith.addf %add3A_104, %select_n3A_113 : vector<2048x32xf32>
    %eq3A_115 = arith.constant 3 : i32
    %eq3A_116 = vector.broadcast %eq3A_115 : i32 to vector<2048x1xi32>
    %eq3A_117 = arith.cmpi eq, %get3A_1, %eq3A_116 : vector<2048x1xi32>
    %slice3A_118 = vector.extract_strided_slice %get3A_85 {offsets = [0, 96], sizes = [2048, 32], strides = [1, 1]} : vector<2048x128xf32> to vector<2048x32xf32>
    %jit3A_119 = arith.constant 0.000000e+00 : f32
    %broadcast_in_dim3A_120 = vector.shape_cast %eq3A_117 : vector<2048x1xi1> to vector<2048x1xi1>
    %broadcast_in_dim3A_121 = vector.broadcast %broadcast_in_dim3A_120 : vector<2048x1xi1> to vector<2048x32xi1>
    %broadcast_in_dim3A_122 = vector.broadcast %jit3A_119 : f32 to vector<2048x32xf32>
    %select_n3A_123 = arith.select %broadcast_in_dim3A_121, %slice3A_118, %broadcast_in_dim3A_122 : vector<2048x32xi1>, vector<2048x32xf32>
    %add3A_124 = arith.addf %add3A_114, %select_n3A_123 : vector<2048x32xf32>
    %get3A_125 = arith.constant 0 : index
    %get3A_126 = arith.constant 0 : index
    %get3A_127 = vector.load %arg6[%get3A_125, %get3A_126] : memref<2048x128xf32, #tpu.memory_space<vmem>>, vector<2048x128xf32>
    %eq3A_128 = arith.constant 0 : i32
    %eq3A_129 = vector.broadcast %eq3A_128 : i32 to vector<2048x1xi32>
    %eq3A_130 = arith.cmpi eq, %get3A_4, %eq3A_129 : vector<2048x1xi32>
    %slice3A_131 = vector.extract_strided_slice %get3A_127 {offsets = [0, 0], sizes = [2048, 32], strides = [1, 1]} : vector<2048x128xf32> to vector<2048x32xf32>
    %jit3A_132 = arith.constant 0.000000e+00 : f32
    %broadcast_in_dim3A_133 = vector.shape_cast %eq3A_130 : vector<2048x1xi1> to vector<2048x1xi1>
    %broadcast_in_dim3A_134 = vector.broadcast %broadcast_in_dim3A_133 : vector<2048x1xi1> to vector<2048x32xi1>
    %broadcast_in_dim3A_135 = vector.broadcast %jit3A_132 : f32 to vector<2048x32xf32>
    %select_n3A_136 = arith.select %broadcast_in_dim3A_134, %slice3A_131, %broadcast_in_dim3A_135 : vector<2048x32xi1>, vector<2048x32xf32>
    %eq3A_137 = arith.constant 1 : i32
    %eq3A_138 = vector.broadcast %eq3A_137 : i32 to vector<2048x1xi32>
    %eq3A_139 = arith.cmpi eq, %get3A_4, %eq3A_138 : vector<2048x1xi32>
    %slice3A_140 = vector.extract_strided_slice %get3A_127 {offsets = [0, 32], sizes = [2048, 32], strides = [1, 1]} : vector<2048x128xf32> to vector<2048x32xf32>
    %jit3A_141 = arith.constant 0.000000e+00 : f32
    %broadcast_in_dim3A_142 = vector.shape_cast %eq3A_139 : vector<2048x1xi1> to vector<2048x1xi1>
    %broadcast_in_dim3A_143 = vector.broadcast %broadcast_in_dim3A_142 : vector<2048x1xi1> to vector<2048x32xi1>
    %broadcast_in_dim3A_144 = vector.broadcast %jit3A_141 : f32 to vector<2048x32xf32>
    %select_n3A_145 = arith.select %broadcast_in_dim3A_143, %slice3A_140, %broadcast_in_dim3A_144 : vector<2048x32xi1>, vector<2048x32xf32>
    %add3A_146 = arith.addf %select_n3A_136, %select_n3A_145 : vector<2048x32xf32>
    %eq3A_147 = arith.constant 2 : i32
    %eq3A_148 = vector.broadcast %eq3A_147 : i32 to vector<2048x1xi32>
    %eq3A_149 = arith.cmpi eq, %get3A_4, %eq3A_148 : vector<2048x1xi32>
    %slice3A_150 = vector.extract_strided_slice %get3A_127 {offsets = [0, 64], sizes = [2048, 32], strides = [1, 1]} : vector<2048x128xf32> to vector<2048x32xf32>
    %jit3A_151 = arith.constant 0.000000e+00 : f32
    %broadcast_in_dim3A_152 = vector.shape_cast %eq3A_149 : vector<2048x1xi1> to vector<2048x1xi1>
    %broadcast_in_dim3A_153 = vector.broadcast %broadcast_in_dim3A_152 : vector<2048x1xi1> to vector<2048x32xi1>
    %broadcast_in_dim3A_154 = vector.broadcast %jit3A_151 : f32 to vector<2048x32xf32>
    %select_n3A_155 = arith.select %broadcast_in_dim3A_153, %slice3A_150, %broadcast_in_dim3A_154 : vector<2048x32xi1>, vector<2048x32xf32>
    %add3A_156 = arith.addf %add3A_146, %select_n3A_155 : vector<2048x32xf32>
    %eq3A_157 = arith.constant 3 : i32
    %eq3A_158 = vector.broadcast %eq3A_157 : i32 to vector<2048x1xi32>
    %eq3A_159 = arith.cmpi eq, %get3A_4, %eq3A_158 : vector<2048x1xi32>
    %slice3A_160 = vector.extract_strided_slice %get3A_127 {offsets = [0, 96], sizes = [2048, 32], strides = [1, 1]} : vector<2048x128xf32> to vector<2048x32xf32>
    %jit3A_161 = arith.constant 0.000000e+00 : f32
    %broadcast_in_dim3A_162 = vector.shape_cast %eq3A_159 : vector<2048x1xi1> to vector<2048x1xi1>
    %broadcast_in_dim3A_163 = vector.broadcast %broadcast_in_dim3A_162 : vector<2048x1xi1> to vector<2048x32xi1>
    %broadcast_in_dim3A_164 = vector.broadcast %jit3A_161 : f32 to vector<2048x32xf32>
    %select_n3A_165 = arith.select %broadcast_in_dim3A_163, %slice3A_160, %broadcast_in_dim3A_164 : vector<2048x32xi1>, vector<2048x32xf32>
    %add3A_166 = arith.addf %add3A_156, %select_n3A_165 : vector<2048x32xf32>
    %get3A_167 = arith.constant 0 : index
    %get3A_168 = arith.constant 0 : index
    %get3A_169 = vector.load %arg7[%get3A_167, %get3A_168] : memref<32x32xf32, #tpu.memory_space<vmem>>, vector<32x32xf32>
    %dot_general3A = arith.constant dense<0.000000e+00> : vector<2048x32xf32>
    %dot_general3A_170 = tpu.matmul %add3A_124, %get3A_169, %dot_general3A {dimension_numbers = #tpu.dot_dimension_numbers<[1], [0], [0], [1], [0, 0, 1, 1], [], []>, precision = #tpu.contract_precision<fp32>, transpose_lhs_hint = false} : vector<2048x32xf32>, vector<32x32xf32>, vector<2048x32xf32> -> vector<2048x32xf32>
    %get3A_171 = arith.constant 0 : index
    %get3A_172 = arith.constant 0 : index
    %get3A_173 = vector.load %arg8[%get3A_171, %get3A_172] : memref<32x32xf32, #tpu.memory_space<vmem>>, vector<32x32xf32>
    %dot_general3A_174 = arith.constant dense<0.000000e+00> : vector<2048x32xf32>
    %dot_general3A_175 = tpu.matmul %add3A_166, %get3A_173, %dot_general3A_174 {dimension_numbers = #tpu.dot_dimension_numbers<[1], [0], [0], [1], [0, 0, 1, 1], [], []>, precision = #tpu.contract_precision<fp32>, transpose_lhs_hint = false} : vector<2048x32xf32>, vector<32x32xf32>, vector<2048x32xf32> -> vector<2048x32xf32>
    %add3A_176 = arith.addf %dot_general3A_170, %dot_general3A_175 : vector<2048x32xf32>
    %get3A_177 = arith.constant 0 : index
    %get3A_178 = arith.constant 0 : index
    %get3A_179 = vector.load %arg9[%get3A_177, %get3A_178] : memref<1x32xf32, #tpu.memory_space<vmem>>, vector<1x32xf32>
    %add3A_180 = vector.broadcast %get3A_179 : vector<1x32xf32> to vector<2048x32xf32>
    %add3A_181 = arith.addf %add3A_176, %add3A_180 : vector<2048x32xf32>
    %max3A = arith.constant 0.000000e+00 : f32
    %max3A_182 = vector.broadcast %max3A : f32 to vector<2048x32xf32>
    %max3A_183 = arith.maximumf %add3A_181, %max3A_182 : vector<2048x32xf32>
    %get3A_184 = arith.constant 0 : index
    %get3A_185 = arith.constant 0 : index
    %get3A_186 = vector.load %arg10[%get3A_184, %get3A_185] : memref<32x16xf32, #tpu.memory_space<vmem>>, vector<32x16xf32>
    %dot_general3A_187 = arith.constant dense<0.000000e+00> : vector<2048x16xf32>
    %dot_general3A_188 = tpu.matmul %max3A_183, %get3A_186, %dot_general3A_187 {dimension_numbers = #tpu.dot_dimension_numbers<[1], [0], [0], [1], [0, 0, 1, 1], [], []>, precision = #tpu.contract_precision<fp32>, transpose_lhs_hint = false} : vector<2048x32xf32>, vector<32x16xf32>, vector<2048x16xf32> -> vector<2048x16xf32>
    %get3A_189 = arith.constant 0 : index
    %get3A_190 = arith.constant 0 : index
    %get3A_191 = vector.load %arg11[%get3A_189, %get3A_190] : memref<1x16xf32, #tpu.memory_space<vmem>>, vector<1x16xf32>
    %add3A_192 = vector.broadcast %get3A_191 : vector<1x16xf32> to vector<2048x16xf32>
    %add3A_193 = arith.addf %dot_general3A_188, %add3A_192 : vector<2048x16xf32>
    %max3A_194 = arith.constant 0.000000e+00 : f32
    %max3A_195 = vector.broadcast %max3A_194 : f32 to vector<2048x16xf32>
    %max3A_196 = arith.maximumf %add3A_193, %max3A_195 : vector<2048x16xf32>
    %mul3A = arith.mulf %add3A_40, %add3A_82 : vector<2048x32xf32>
    %get3A_197 = arith.constant 0 : index
    %get3A_198 = arith.constant 0 : index
    %get3A_199 = vector.load %arg12[%get3A_197, %get3A_198] : memref<1x32xf32, #tpu.memory_space<vmem>>, vector<1x32xf32>
    %mul3A_200 = vector.broadcast %get3A_199 : vector<1x32xf32> to vector<2048x32xf32>
    %mul3A_201 = arith.mulf %mul3A, %mul3A_200 : vector<2048x32xf32>
    %reduce_sum3A = arith.constant dense<0.000000e+00> : vector<2048xf32>
    %reduce_sum3A_202 = vector.multi_reduction <add>, %mul3A_201, %reduce_sum3A [1] : vector<2048x32xf32> to vector<2048xf32>
    %get3A_203 = arith.constant 0 : index
    %get3A_204 = arith.constant 0 : index
    %get3A_205 = vector.load %arg13[%get3A_203, %get3A_204] : memref<1x16xf32, #tpu.memory_space<vmem>>, vector<1x16xf32>
    %mul3A_206 = vector.broadcast %get3A_205 : vector<1x16xf32> to vector<2048x16xf32>
    %mul3A_207 = arith.mulf %max3A_196, %mul3A_206 : vector<2048x16xf32>
    %reduce_sum3A_208 = arith.constant dense<0.000000e+00> : vector<2048xf32>
    %reduce_sum3A_209 = vector.multi_reduction <add>, %mul3A_207, %reduce_sum3A_208 [1] : vector<2048x16xf32> to vector<2048xf32>
    %add3A_210 = arith.addf %reduce_sum3A_202, %reduce_sum3A_209 : vector<2048xf32>
    %get3A_211 = arith.constant 0 : index
    %get3A_212 = arith.constant 0 : index
    %get3A_213 = vector.load %arg14[%get3A_211, %get3A_212] : memref<1x1xf32, #tpu.memory_space<vmem>>, vector<1x1xf32>
    %get3A_214 = vector.extract %get3A_213[0, 0] : f32 from vector<1x1xf32>
    %add3A_215 = vector.broadcast %get3A_214 : f32 to vector<2048xf32>
    %add3A_216 = arith.addf %add3A_210, %add3A_215 : vector<2048xf32>
    %swap3A = arith.constant 0 : index
    %swap3A_217 = vector.load %arg15[%swap3A] : memref<2048xf32, #tpu.memory_space<vmem>>, vector<2048xf32>
    tpu.vector_store %arg15[%swap3A], %add3A_216 {strides = array<i32>} : memref<2048xf32, #tpu.memory_space<vmem>>, vector<2048xf32>,
    return
  }
  func.func @transform_0(%arg0: i32) -> (i32, i32) {
    %c0_i32 = arith.constant 0 : i32
    %c0_i32_0 = arith.constant 0 : i32
    return %arg0, %c0_i32 : i32, i32
  }
  func.func @transform_1(%arg0: i32) -> (i32, i32) {
    %c0_i32 = arith.constant 0 : i32
    %c0_i32_0 = arith.constant 0 : i32
    return %arg0, %c0_i32 : i32, i32
  }
  func.func @transform_2(%arg0: i32) -> (i32, i32) {
    %c0_i32 = arith.constant 0 : i32
    %c0_i32_0 = arith.constant 0 : i32
    return %arg0, %c0_i32 : i32, i32
  }
  func.func @transform_3(%arg0: i32) -> (i32, i32) {
    %c0_i32 = arith.constant 0 : i32
    %c0_i32_0 = arith.constant 0 : i32
    return %arg0, %c0_i32 : i32, i32
  }
  func.func @transform_4(%arg0: i32) -> (i32, i32) {
    %c0_i32 = arith.constant 0 : i32
    %c0_i32_0 = arith.constant 0 : i32
    return %arg0, %c0_i32 : i32, i32
  }
  func.func @transform_5(%arg0: i32) -> (i32, i32) {
    %c0_i32 = arith.constant 0 : i32
    %c0_i32_0 = arith.constant 0 : i32
    return %arg0, %c0_i32 : i32, i32
  }
  func.func @transform_6(%arg0: i32) -> (i32, i32) {
    %c0_i32 = arith.constant 0 : i32
    %c0_i32_0 = arith.constant 0 : i32
    %c0_i32_1 = arith.constant 0 : i32
    return %c0_i32, %c0_i32_0 : i32, i32
  }
  func.func @transform_7(%arg0: i32) -> (i32, i32) {
    %c0_i32 = arith.constant 0 : i32
    %c0_i32_0 = arith.constant 0 : i32
    %c0_i32_1 = arith.constant 0 : i32
    return %c0_i32, %c0_i32_0 : i32, i32
  }
  func.func @transform_8(%arg0: i32) -> (i32, i32) {
    %c0_i32 = arith.constant 0 : i32
    %c0_i32_0 = arith.constant 0 : i32
    %c0_i32_1 = arith.constant 0 : i32
    return %c0_i32, %c0_i32_0 : i32, i32
  }
  func.func @transform_9(%arg0: i32) -> (i32, i32) {
    %c0_i32 = arith.constant 0 : i32
    %c0_i32_0 = arith.constant 0 : i32
    %c0_i32_1 = arith.constant 0 : i32
    return %c0_i32, %c0_i32_0 : i32, i32
  }
  func.func @transform_10(%arg0: i32) -> (i32, i32) {
    %c0_i32 = arith.constant 0 : i32
    %c0_i32_0 = arith.constant 0 : i32
    %c0_i32_1 = arith.constant 0 : i32
    return %c0_i32, %c0_i32_0 : i32, i32
  }
  func.func @transform_11(%arg0: i32) -> (i32, i32) {
    %c0_i32 = arith.constant 0 : i32
    %c0_i32_0 = arith.constant 0 : i32
    %c0_i32_1 = arith.constant 0 : i32
    return %c0_i32, %c0_i32_0 : i32, i32
  }
  func.func @transform_12(%arg0: i32) -> (i32, i32) {
    %c0_i32 = arith.constant 0 : i32
    %c0_i32_0 = arith.constant 0 : i32
    %c0_i32_1 = arith.constant 0 : i32
    return %c0_i32, %c0_i32_0 : i32, i32
  }
  func.func @transform_13(%arg0: i32) -> (i32, i32) {
    %c0_i32 = arith.constant 0 : i32
    %c0_i32_0 = arith.constant 0 : i32
    %c0_i32_1 = arith.constant 0 : i32
    return %c0_i32, %c0_i32_0 : i32, i32
  }
  func.func @transform_14(%arg0: i32) -> i32 {
    %c0_i32 = arith.constant 0 : i32
    return %arg0 : i32
  }
}

</mosaic_0001>

<sc_bundles>
// kernel: kernel.8.cloned.1.call-start
scs
__scs_entry_jumppad:
0x0: {  	(pc) =	sbr.rel $0x88, $3  }
0x1: {  	(tag) =	ssettag $0x0;
	lr =	simm.s32 $0x1  }
0x2: {  	[smem:$0x3F95] =	sst lr;
	_ =	strace $0xD0000000  }
0x3: {  	_ = 	snop  }
0x4: {  	_ = 	snop  }
0x5: {  	_ = 	snop  }
0x6: {  	_ = 	snop  }
0x7: {  	_ = 	snop  }
__scs_overlays_trampoline_lowered:
0x8: {  	[smem:$0x3FA4] =	sst s0  }
0x9: {  	[smem:$0x3FA5] =	sst s1  }
0xa: {  	[smem:$0x3FA6] =	sst s2  }
0xb: {  	[smem:$0x3FA7] =	sst s3  }
0xc: {  	[smem:$0x3FA8] =	sst s4  }
0xd: {  	[smem:$0x3FA9] =	sst s5  }
0xe: {  	[smem:$0x3FAA] =	sst s6  }
0xf: {  	[smem:$0x3FAB] =	sst s7  }
0x10: {  	[smem:$0x3FAC] =	sst s8  }
0x11: {  	[smem:$0x3FAD] =	sst s9;
	s0 =	simm.s32 @!p0 $0x0  }
0x12: {  	s1 =	sld [smem:$0x3F93];
	s0 =	simm.s32 @p0 $0x1  }
0x13: {  	[smem:$0x3FAE] =	sst s0;
	s0 =	simm.s32 @!p1 $0x0  }
0x14: {  	s2 =	sld [smem:$0x3F92];
	s0 =	simm.s32 @p1 $0x1  }
0x15: {  	[smem:$0x3FAF] =	sst s0;
	s0 =	simm.s32 @!p2 $0x0  }
0x16: {  	s3 =	sld [smem:$0x3FDB];
	s0 =	simm.s32 @p2 $0x1  }
0x17: {  	s4 =	simm.s32 $0x1BF5;
	[smem:$0x3FB1] =	sst s0  }
0x18: {  	s0 =	sld [smem:$0x3F94];
	_ =	swait.ge [sflag:s4], $0x0  }
0x19: {  	s7 =	sld [smem:$0x3F95]  }
0x1a: {  	s8 =	sadd.s32 $0xFFFFE003, lr  }
0x1b: {  	s9 =	sadd.s32 $0xFFFFFEF7, lr;
	s5 =	simm.s32 $0xFFFFFFFF;
	p2 =	slt.u32 s8, $0xFFFFF086  }
0x1c: {  	p1 =	slt.u32 s9, $0xF7A;
	s5 =	simm.s32 @!p2 $0x0  }
0x1d: {  	s5 =	simm.s32 @p1 $0x1;
	p0 =	seq.s32 s7, s2  }
0x1e: {  	s7 =	smul.u32 @!p0 $0xF7A, s2;
	p2 =	seq.s32 @!p0 s5, $0x0  }
0x1f: {  	s9 =	smul.u32 $0xF7A, s1;
	s8 =	simm.s32 @!p0 $0x1BF5;
	p2 =	por !p2, p0  }
0x20: {  	[sflag:s8] =	ssyncset.s32 @!p0 $0xFFFFF086;
	s6 =	sadd.s32 @!p0 s3, s7;
	s7 =	simm.s32 @!p0 $0x108  }
0x21: {  	s3 =	sadd.s32 s3, s9;
	s6 =	sadd.s32 @!p0 $0x88, s6;
	s7 =	simm.s32 @p2 $0x1082  }
0x22: {  	[simem:s7], [sflag:s8] =	dma.local @!p0 [hbm:s6], $0xF7A  }
0x23: {  	s9 =	sor.u32 $0xD0000000, s2;
	s6 =	simm.s32 $0x108;
	_ =	swait.ge @!p0 [sflag:s8], $0x0  }
0x24: {  	s3 =	sadd.s32 $0x88, s3;
	s6 =	simm.s32 @!p1 $0x1082;
	[sflag:s4] =	ssyncset.s32 $0xFFFFF086  }
0x25: {  	[simem:s6], [sflag:s4] =	dma.local [hbm:s3], $0xF7A  }
0x26: {  	[smem:$0x3F95] =	sst s1;
	(tag) =	ssettag s2;
	_ =	strace s9  }
0x27: {  	s1 =	sld [smem:$0x3FA5]  }
0x28: {  	s2 =	sld [smem:$0x3FA6]  }
0x29: {  	s4 =	sld [smem:$0x3FA8]  }
0x2a: {  	p0 =	seq.s32 s5, $0x0;
	s5 =	sld [smem:$0x3FA9]  }
0x2b: {  	s6 =	sld [smem:$0x3FAA]  }
0x2c: {  	s7 =	sld [smem:$0x3FAB]  }
0x2d: {  	s3 =	simm.s32 $0x108;
	s8 =	sld [smem:$0x3FAC]  }
0x2e: {  	s3 =	simm.s32 @!p0 $0x1082;
	s9 =	sld [smem:$0x3FAD]  }
0x2f: {  	lr =	sadd.s32 s0, s3;
	s0 =	sld [smem:$0x3FA4]  }
0x30: {  	s3 =	sld [smem:$0x3FA7]  }
0x31: {  	[smem:$0x3FB0] =	sst s10  }
0x32: {  	s10 =	sld [smem:$0x3FAE];
	_ =	sdelay $0x3  }
0x33: {  	p0 =	seq.s32 s10, $0x1;
	s10 =	sld [smem:$0x3FB0];
	_ =	sdelay $0x3  }
0x34: {  	[smem:$0x3FB0] =	sst s10  }
0x35: {  	s10 =	sld [smem:$0x3FAF];
	_ =	sdelay $0x3  }
0x36: {  	p1 =	seq.s32 s10, $0x1;
	s10 =	sld [smem:$0x3FB0];
	_ =	sdelay $0x3  }
0x37: {  	[smem:$0x3FB0] =	sst s10  }
0x38: {  	s10 =	sld [smem:$0x3FB1]  }
0x39: {  	_ = 	snop;
	(pc) =	sbr.ind lr, $3  }
0x3a: {  	_ = 	snop  }
0x3b: {  	_ = 	snop  }
0x3c: {  	p2 =	seq.s32 s10, $0x1;
	s10 =	sld [smem:$0x3FB0]  }
0x3d: {  	_ =	shalt  }
0x3e: {  	_ =	shalt  }
0x3f: {  	_ =	shalt  }
0x40: {  	_ =	shalt  }
0x41: {  	_ =	shalt  }
0x42: {  	_ =	shalt  }
0x43: {  	_ =	shalt  }
0x44: {  	_ =	shalt  }
0x45: {  	_ =	shalt  }
0x46: {  	_ =	shalt  }
0x47: {  	_ =	shalt  }
0x48: {  	_ =	shalt  }
0x49: {  	_ =	shalt  }
0x4a: {  	_ =	shalt  }
0x4b: {  	_ =	shalt  }
0x4c: {  	_ =	shalt  }
0x4d: {  	_ =	shalt  }
0x4e: {  	_ =	shalt  }
0x4f: {  	_ =	shalt  }
0x50: {  	_ =	shalt  }
0x51: {  	_ =	shalt  }
0x52: {  	_ =	shalt  }
0x53: {  	_ =	shalt  }
0x54: {  	_ =	shalt  }
0x55: {  	_ =	shalt  }
0x56: {  	_ =	shalt  }
0x57: {  	_ =	shalt  }
0x58: {  	_ =	shalt  }
0x59: {  	_ =	shalt  }
0x5a: {  	_ =	shalt  }
0x5b: {  	_ =	shalt  }
0x5c: {  	_ =	shalt  }
0x5d: {  	_ =	shalt  }
0x5e: {  	_ =	shalt  }
0x5f: {  	_ =	shalt  }
0x60: {  	_ =	shalt  }
0x61: {  	_ =	shalt  }
0x62: {  	_ =	shalt  }
0x63: {  	_ =	shalt  }
0x64: {  	_ =	shalt  }
0x65: {  	_ =	shalt  }
0x66: {  	_ =	shalt  }
0x67: {  	_ =	shalt  }
0x68: {  	_ =	shalt  }
0x69: {  	_ =	shalt  }
0x6a: {  	_ =	shalt  }
0x6b: {  	_ =	shalt  }
0x6c: {  	_ =	shalt  }
0x6d: {  	_ =	shalt  }
0x6e: {  	_ =	shalt  }
0x6f: {  	_ =	shalt  }
0x70: {  	_ =	shalt  }
0x71: {  	_ =	shalt  }
0x72: {  	_ =	shalt  }
0x73: {  	_ =	shalt  }
0x74: {  	_ =	shalt  }
0x75: {  	_ =	shalt  }
0x76: {  	_ =	shalt  }
0x77: {  	_ =	shalt  }
0x78: {  	_ =	shalt  }
0x79: {  	_ =	shalt  }
0x7a: {  	_ =	shalt  }
0x7b: {  	_ =	shalt  }
0x7c: {  	_ =	shalt  }
0x7d: {  	_ =	shalt  }
0x7e: {  	_ =	shalt  }
0x7f: {  	_ =	shalt  }
0x80: {  	_ =	shalt  }
0x81: {  	_ =	shalt  }
0x82: {  	_ =	shalt  }
0x83: {  	_ =	shalt  }
0x84: {  	_ =	shalt  }
0x85: {  	_ =	shalt  }
0x86: {  	_ =	shalt  }
0x87: {  	_ =	shalt  }
.Lfunc_end0:
.L_simem_size_0:
called_computation_lowered:
.L_overlay_start_0:
0x88: {  	s2 =	sld [smem:$0x3FD9]  }
0x89: {  	s3 =	sld [smem:$0x3FFE];
	_ =	sdelay $0x1  }
0x8a: {  	s1 =	srdreg.scid  }
0x8b: {  	s0 =	sand.u32 $0x1, s1  }
0x8c: {  	s17 =	sshll.u32 s0, $0xA;
	s2 =	sadd.s32 s3, s2  }
0x8d: {  	s2 =	sadd.s32 s2, s17  }
0x8e: {  	[smem:$0x3FBC] =	sst s2  }
0x8f: {  	_ = 	snop  }
0x90: {  	s2 =	sld [smem:$0x3FD0];
	(tm) =	ssettm $0x1  }
0x91: {  	s18 =	sld [smem:$0x3FFB];
	_ =	sdelay $0x3  }
0x92: {  	_ =	strace s18  }
0x93: {  	s3 =	sld [smem:$0x3FFC];
	_ =	sdelay $0x3  }
0x94: {  	_ =	strace s3  }
0x95: {  	s3 =	sld [smem:$0x3FFD];
	_ =	sdelay $0x3  }
0x96: {  	_ =	strace s3  }
0x97: {  	_ =	strace $0x8FFFFFFF  }
0x98: {  	s19 =	sld [smem:$0x3FDB];
	_ =	sdelay $0x1  }
0x99: {  	s4 =	simm.s32 $_scs_section_size  }
0x9a: {  	s5 =	simm.s32 $_size__tile_overlayer_lowered;
	s6 =	simm.s32 $_tile_overlayer_lowered  }
0x9b: {  	s22 =	simm.s32 $0x1BFF;
	s21 =	sshll.u32 s6, $0x1;
	s3 =	sadd.s32 s4, s19  }
0x9c: {  	s7 =	simm.s32 $0x0;
	s20 =	sshll.u32 s5, $0x1;
	s5 =	sadd.s32 s21, s3  }
0x9d: {  	[timem:s7], [sflag:s22] =	dma.local [hbm:s5], s20  }
0x9e: {  	_ =	swait.ge [sflag:s22], s20  }
0x9f: {  	s4 =	ssub.s32 $0x0, s20;
	[sflag:s22] =	ssyncset.done $0x0  }
0xa0: {  	[sflag:s22] =	ssyncadd.s32 s4;
	_ =	sdelay $0x1  }
0xa1: {  	s23 =	simm.s32 $0x1B8B  }
0xa2: {  	_ =	swait.ge [sflag:s23], $0x1  }
0xa3: {  	[sflag:s23] =	ssyncset.done $0x0  }
0xa4: {  	s25 =	simm.s32 $0x1B8E;
	s24 =	sld [smem:$0x3FFE];
	[sflag:s23] =	ssyncadd.s32 $0xFFFFFFFF  }
0xa5: {  	s26 =	simm.s32 $execute0_lowered;
	[smem:$0x3FD2] =	sst s25  }
0xa6: {  	s5 =	sshll.u32 s26, $0x1;
	_ =	strace $0x80000046;
	[dreg:$0x1] =	wrdreg $0xFFFFFFFF  }
0xa7: {  	s28 =	simm.s32 $_size_execute0_lowered;
	s3 =	sadd.s32 s3, s5;
	[dreg:$0x0] =	wrdreg $0x0  }
0xa8: {  	s5 =	sshll.u32 s28, $0x1;
	[dreg:$0x2] =	wrdreg s3  }
0xa9: {  	[dreg:$0x3] =	wrdreg s5  }
0xaa: {  	[dreg:$0x4] =	wrdreg $0xC0  }
0xab: {  	_ =	task [dreg:s7], $0x5FFFF  }
0xac: {  	[dreg:$0x1] =	wrdreg $0xFFFFFFFF  }
0xad: {  	[dreg:$0x0] =	wrdreg $0x60  }
0xae: {  	[dreg:$0x2] =	wrdreg s24  }
0xaf: {  	[dreg:$0x3] =	wrdreg s2  }
0xb0: {  	[dreg:$0x4] =	wrdreg $0x9  }
0xb1: {  	_ =	task.clear_ibuf [dreg:s7], $0x5FFFF;
	_ =	strace $0x90000046  }
0xb2: {  	s29 =	simm.s32 $0x9;
	_ =	strace $0x80000048  }
0xb3: {  	_ =	swait.ge [sflag:s29], $0x1  }
0xb4: {  	[sflag:s29] =	ssyncadd.s32 $0xFFFFFFFF  }
0xb5: {  	_ =	strace $0x90000048  }
0xb6: {  	_ =	sfence  }
0xb7: {  	s30 =	sld [smem:$0x0];
	_ =	sdelay $0x2  }
0xb8: {  	s31 =	sshll.u32 s1, $0xD;
	s1 =	sshrl.u32 s1, $0x2  }
0xb9: {  	s3 =	sand.u32 $0x4000, s31;
	s1 =	sadd.s32 s1, s30  }
0xba: {  	s0 =	sor.u32 s3, s0;
	s1 =	sshll.u32 s1, $0x11  }
0xbb: {  	s0 =	sor.u32 s1, s0  }
0xbc: {  	s0 =	sadd.s32 $0x8F2B, s0  }
0xbd: {  	[sflag:s0] =	ssyncadd.remote.s32 $0x1  }
0xbe: {  	_ =	sfence.sel $0xFFFF  }
0xbf: {  	[dreg:$0x0] =	wrdreg $0xFFFFFFFF;
	(pc) =	sbr.abs _section_cstart, $3  }
0xc0: {  	[dreg:$0x1] =	wrdreg $0xFFFFFFFF  }
0xc1: {  	_ =	task.clear_ibuf [dreg:s7], $0x2FFFF;
	_ =	strace $0x9FFFFFFF  }
0xc2: {  	(tm) =	ssettm $0x7FFFFFFF  }
0xc3: {  	_ =	shalt  }
tec
execute0_lowered:
.L_overlay_start_1:
0x0: {  	(tag) =	ssettag $0x1  }
0x1: {  	s28 =	rddreg [dreg:$0x0]  }
0x2: {  	s1 =	rddreg [dreg:$0x1]  }
0x3: {  	s0 =	srdreg.scid;
	s6 =	stileid.u32;
	s2 =	simm.s32 $0x0  }
0x4: {  	s0 =	sand.u32 $0x1, s0;
	s3 =	sshll.u32 s6, $0x7;
	[smem:$0x7FF] =	sst s2  }
0x5: {  	s5 =	sadd.s32 $0xF83600, s28;
	s6 =	sshll.u32 s6, $0xE;
	s4 =	sshll.u32 s0, $0x6  }
0x6: {  	[dreg:$0xe] =	wrdreg s0;
	s7 =	sshll.u32 s0, $0xD;
	s3 =	sor.u32 s4, s3  }
0x7: {  	_ =	strace $0x80000047;
	s4 =	sadd.s32 s3, s28;
	s3 =	sadd.s32 s1, s3  }
0x8: {  	s1 =	sor.u32 s7, s6;
	s4 =	sadd.s32 $0xF82E00, s4;
	[dreg:$0x4] =	wrdreg s3  }
0x9: {  	s17 =	sadd.s32 $0xFC3600, s28;
	s14 =	sadd.s32 s5, s1;
	[dreg:$0x3] =	wrdreg s4  }
0xa: {  	s26 =	sadd.s32 $0x1003600, s28;
	s19 =	sadd.s32 s17, s1;
	[dreg:$0x5] =	wrdreg s14  }
0xb: {  	s29 =	sor.u32 $0x800, s1;
	s24 =	sadd.s32 s26, s1;
	[dreg:$0x9] =	wrdreg s19  }
0xc: {  	s30 =	sor.u32 $0x1000, s1;
	s15 =	sadd.s32 s5, s29;
	[dreg:$0xd] =	wrdreg s24  }
0xd: {  	s31 =	sor.u32 $0x1800, s1;
	s16 =	sadd.s32 s5, s30;
	[dreg:$0x6] =	wrdreg s15  }
0xe: {  	s18 =	sadd.s32 s5, s31;
	[dreg:$0x7] =	wrdreg s16  }
0xf: {  	s20 =	sadd.s32 s17, s29;
	[dreg:$0x8] =	wrdreg s18  }
0x10: {  	s21 =	sadd.s32 s17, s30;
	[dreg:$0xa] =	wrdreg s20  }
0x11: {  	[dreg:$0xb] =	wrdreg s21  }
0x12: {  	s22 =	sadd.s32 s17, s31;
	s23 =	rddreg [dreg:$0x3]  }
0x13: {  	s3 =	simm.s32 $0x7;
	[dreg:$0xc] =	wrdreg s22  }
0x14: {  	[tilespmem:s2], [sflag:$0x7] =	stream.linear.gather [hbm4b:s23+s2], $0x200, $0x38;
	[tilespmem:$0xC400] =	vst v63  }
0x15: {  	_ =	swait.ge [sflag:s3], $0x200  }
0x16: {  	[sflag:s3] =	ssyncset.done $0x0  }
0x17: {  	s4 =	simm.s32 $0x200;
	s25 =	rddreg [dreg:$0x4];
	[sflag:s3] =	ssyncadd.s32 $0xFFFFFE00  }
0x18: {  	[tilespmem:s4], [sflag:$0x7] =	stream.linear.gather [hbm4b:s25+s2], $0x200, $0x38;
	[tilespmem:$0xC400] =	vst v63  }
0x19: {  	_ =	swait.ge [sflag:s3], $0x200  }
0x1a: {  	s6 =	simm.s32 $0x80;
	[sflag:s3] =	ssyncset.done $0x0  }
0x1b: {  	s7 =	simm.s32 $0x400;
	s5 =	sadd.s32 $0x1E00, s28;
	[sflag:s3] =	ssyncadd.s32 $0xFFFFFE00  }
0x1c: {  	[tilespmem:s7], [sflag:$0x1] =	stream.indirect.gather [hbm4b:s5+s6], $0x80, s2, s6, $0xb8;
	[tilespmem:$0xC400] =	vst v63  }
0x1d: {  	s8 =	simm.s32 $0x4400;
	s9 =	simm.s32 $0x1  }
0x1e: {  	[tilespmem:s8], [sflag:$0x2] =	stream.indirect.gather [hbm4b:s5+s6], $0x80, s6, s6, $0xb8;
	[tilespmem:$0xC400] =	vst v63  }
0x1f: {  	_ =	swait.ge [sflag:s9], $0x4000  }
0x20: {  	[sflag:s9] =	ssyncset.done $0x0  }
0x21: {  	s10 =	rddreg [dreg:$0x5];
	[sflag:s9] =	ssyncadd.s32 $0xFFFFC000  }
0x22: {  	[hbm4b:s10+s2] =	stream.linear.scatter [tilespmem:s7], [sflag:$0x4], $0x4000, $0x38;
	[tilespmem:$0xC400] =	vst v63  }
0x23: {  	s11 =	simm.s32 $0x8400;
	s12 =	simm.s32 $0x2;
	s10 =	simm.s32 $0x100  }
0x24: {  	[tilespmem:s11], [sflag:$0x3] =	stream.indirect.gather [hbm4b:s5+s6], $0x80, s10, s6, $0xb8;
	[tilespmem:$0xC400] =	vst v63  }
0x25: {  	_ =	swait.ge [sflag:s12], $0x4000  }
0x26: {  	[sflag:s12] =	ssyncset.done $0x0  }
0x27: {  	s13 =	simm.s32 $0x4;
	s14 =	rddreg [dreg:$0x6];
	[sflag:s12] =	ssyncadd.s32 $0xFFFFC000  }
0x28: {  	[hbm4b:s14+s2] =	stream.linear.scatter [tilespmem:s8], [sflag:$0x5], $0x4000, $0x38;
	[tilespmem:$0xC400] =	vst v63  }
0x29: {  	_ =	swait.ge [sflag:s13], $0x4000  }
0x2a: {  	[sflag:s13] =	ssyncset.done $0x0  }
0x2b: {  	s15 =	simm.s32 $0x3;
	s14 =	simm.s32 $0x180;
	[sflag:s13] =	ssyncadd.s32 $0xFFFFC000  }
0x2c: {  	[tilespmem:s7], [sflag:$0x1] =	stream.indirect.gather [hbm4b:s5+s6], $0x80, s14, s6, $0xb8;
	[tilespmem:$0xC400] =	vst v63  }
0x2d: {  	_ =	swait.ge [sflag:s15], $0x4000  }
0x2e: {  	[sflag:s15] =	ssyncset.done $0x0  }
0x2f: {  	s16 =	simm.s32 $0x5;
	s17 =	rddreg [dreg:$0x7];
	[sflag:s15] =	ssyncadd.s32 $0xFFFFC000  }
0x30: {  	[hbm4b:s17+s2] =	stream.linear.scatter [tilespmem:s11], [sflag:$0x6], $0x4000, $0x38;
	[tilespmem:$0xC400] =	vst v63  }
0x31: {  	_ =	swait.ge [sflag:s16], $0x4000  }
0x32: {  	[sflag:s16] =	ssyncset.done $0x0  }
0x33: {  	s17 =	sadd.s32 $0x3E1E00, s28;
	[sflag:s16] =	ssyncadd.s32 $0xFFFFC000  }
0x34: {  	[tilespmem:s8], [sflag:$0x2] =	stream.indirect.gather [hbm4b:s17+s6], $0x80, s4, s6, $0xb8;
	[tilespmem:$0xC400] =	vst v63  }
0x35: {  	_ =	swait.ge [sflag:s9], $0x4000  }
0x36: {  	[sflag:s9] =	ssyncset.done $0x0  }
0x37: {  	s18 =	rddreg [dreg:$0x8];
	[sflag:s9] =	ssyncadd.s32 $0xFFFFC000  }
0x38: {  	[hbm4b:s18+s2] =	stream.linear.scatter [tilespmem:s7], [sflag:$0x4], $0x4000, $0x38;
	[tilespmem:$0xC400] =	vst v63  }
0x39: {  	s18 =	simm.s32 $0x6  }
0x3a: {  	_ =	swait.ge [sflag:s18], $0x4000  }
0x3b: {  	[sflag:s18] =	ssyncset.done $0x0  }
0x3c: {  	s19 =	simm.s32 $0x280;
	[sflag:s18] =	ssyncadd.s32 $0xFFFFC000  }
0x3d: {  	[tilespmem:s11], [sflag:$0x3] =	stream.indirect.gather [hbm4b:s17+s6], $0x80, s19, s6, $0xb8;
	[tilespmem:$0xC400] =	vst v63  }
0x3e: {  	_ =	swait.ge [sflag:s12], $0x4000  }
0x3f: {  	[sflag:s12] =	ssyncset.done $0x0  }
0x40: {  	s20 =	rddreg [dreg:$0x9];
	[sflag:s12] =	ssyncadd.s32 $0xFFFFC000  }
0x41: {  	[hbm4b:s20+s2] =	stream.linear.scatter [tilespmem:s8], [sflag:$0x5], $0x4000, $0x38;
	[tilespmem:$0xC400] =	vst v63  }
0x42: {  	_ =	swait.ge [sflag:s13], $0x4000  }
0x43: {  	[sflag:s13] =	ssyncset.done $0x0  }
0x44: {  	s20 =	simm.s32 $0x300;
	[sflag:s13] =	ssyncadd.s32 $0xFFFFC000  }
0x45: {  	[tilespmem:s7], [sflag:$0x1] =	stream.indirect.gather [hbm4b:s17+s6], $0x80, s20, s6, $0xb8;
	[tilespmem:$0xC400] =	vst v63  }
0x46: {  	_ =	swait.ge [sflag:s15], $0x4000  }
0x47: {  	[sflag:s15] =	ssyncset.done $0x0  }
0x48: {  	s21 =	rddreg [dreg:$0xa];
	[sflag:s15] =	ssyncadd.s32 $0xFFFFC000  }
0x49: {  	[hbm4b:s21+s2] =	stream.linear.scatter [tilespmem:s11], [sflag:$0x6], $0x4000, $0x38;
	[tilespmem:$0xC400] =	vst v63  }
0x4a: {  	_ =	swait.ge [sflag:s16], $0x4000  }
0x4b: {  	[sflag:s16] =	ssyncset.done $0x0  }
0x4c: {  	s21 =	simm.s32 $0x380;
	[sflag:s16] =	ssyncadd.s32 $0xFFFFC000  }
0x4d: {  	[tilespmem:s8], [sflag:$0x2] =	stream.indirect.gather [hbm4b:s17+s6], $0x80, s21, s6, $0xb8;
	[tilespmem:$0xC400] =	vst v63  }
0x4e: {  	_ =	swait.ge [sflag:s9], $0x4000  }
0x4f: {  	[sflag:s9] =	ssyncset.done $0x0  }
0x50: {  	s22 =	rddreg [dreg:$0xb];
	[sflag:s9] =	ssyncadd.s32 $0xFFFFC000  }
0x51: {  	[hbm4b:s22+s2] =	stream.linear.scatter [tilespmem:s7], [sflag:$0x4], $0x4000, $0x38;
	[tilespmem:$0xC400] =	vst v63  }
0x52: {  	_ =	swait.ge [sflag:s18], $0x4000  }
0x53: {  	[sflag:s18] =	ssyncset.done $0x0  }
0x54: {  	s22 =	sadd.s32 $0x7C1E00, s28;
	[sflag:s18] =	ssyncadd.s32 $0xFFFFC000  }
0x55: {  	[tilespmem:s11], [sflag:$0x3] =	stream.indirect.gather [hbm4b:s22+s6], $0x80, s2, s6, $0xb8;
	[tilespmem:$0xC400] =	vst v63  }
0x56: {  	_ =	swait.ge [sflag:s12], $0x4000  }
0x57: {  	[sflag:s12] =	ssyncset.done $0x0  }
0x58: {  	s23 =	rddreg [dreg:$0xc];
	[sflag:s12] =	ssyncadd.s32 $0xFFFFC000  }
0x59: {  	[hbm4b:s23+s2] =	stream.linear.scatter [tilespmem:s8], [sflag:$0x5], $0x4000, $0x38;
	[tilespmem:$0xC400] =	vst v63  }
0x5a: {  	_ =	swait.ge [sflag:s13], $0x4000  }
0x5b: {  	[sflag:s13] =	ssyncset.done $0x0  }
0x5c: {  	[sflag:s13] =	ssyncadd.s32 $0xFFFFC000  }
0x5d: {  	[tilespmem:s7], [sflag:$0x1] =	stream.indirect.gather [hbm4b:s22+s6], $0x80, s6, s6, $0xb8;
	[tilespmem:$0xC400] =	vst v63  }
0x5e: {  	_ =	swait.ge [sflag:s15], $0x4000  }
0x5f: {  	[sflag:s15] =	ssyncset.done $0x0  }
0x60: {  	s0 =	rddreg [dreg:$0xd];
	[sflag:s15] =	ssyncadd.s32 $0xFFFFC000  }
0x61: {  	[hbm4b:s0+s2] =	stream.linear.scatter [tilespmem:s11], [sflag:$0x6], $0x4000, $0x38;
	[tilespmem:$0xC400] =	vst v63  }
0x62: {  	_ =	swait.ge [sflag:s16], $0x4000  }
0x63: {  	[sflag:s16] =	ssyncset.done $0x0  }
0x64: {  	[sflag:s16] =	ssyncadd.s32 $0xFFFFC000  }
0x65: {  	[tilespmem:s8], [sflag:$0x2] =	stream.indirect.gather [hbm4b:s22+s6], $0x80, s10, s6, $0xb8;
	[tilespmem:$0xC400] =	vst v63  }
0x66: {  	_ =	swait.ge [sflag:s9], $0x4000  }
0x67: {  	[sflag:s9] =	ssyncset.done $0x0  }
0x68: {  	s23 =	sadd.s32 s26, s29;
	[sflag:s9] =	ssyncadd.s32 $0xFFFFC000  }
0x69: {  	[hbm4b:s23+s2] =	stream.linear.scatter [tilespmem:s7], [sflag:$0x4], $0x4000, $0x38;
	[tilespmem:$0xC400] =	vst v63  }
0x6a: {  	_ =	swait.ge [sflag:s18], $0x4000  }
0x6b: {  	[sflag:s18] =	ssyncset.done $0x0  }
0x6c: {  	[sflag:s18] =	ssyncadd.s32 $0xFFFFC000  }
0x6d: {  	[tilespmem:s11], [sflag:$0x3] =	stream.indirect.gather [hbm4b:s22+s6], $0x80, s14, s6, $0xb8;
	[tilespmem:$0xC400] =	vst v63  }
0x6e: {  	_ =	swait.ge [sflag:s12], $0x4000  }
0x6f: {  	[sflag:s12] =	ssyncset.done $0x0  }
0x70: {  	s24 =	sadd.s32 s26, s30;
	[sflag:s12] =	ssyncadd.s32 $0xFFFFC000  }
0x71: {  	[hbm4b:s24+s2] =	stream.linear.scatter [tilespmem:s8], [sflag:$0x5], $0x4000, $0x38;
	[tilespmem:$0xC400] =	vst v63  }
0x72: {  	_ =	swait.ge [sflag:s13], $0x4000  }
0x73: {  	[sflag:s13] =	ssyncset.done $0x0  }
0x74: {  	s25 =	sadd.s32 $0xBA1E00, s28;
	[sflag:s13] =	ssyncadd.s32 $0xFFFFC000  }
0x75: {  	[tilespmem:s7], [sflag:$0x1] =	stream.indirect.gather [hbm4b:s25+s6], $0x80, s4, s6, $0xb8;
	[tilespmem:$0xC400] =	vst v63  }
0x76: {  	_ =	swait.ge [sflag:s15], $0x4000  }
0x77: {  	[sflag:s15] =	ssyncset.done $0x0  }
0x78: {  	s26 =	sadd.s32 s26, s31;
	[sflag:s15] =	ssyncadd.s32 $0xFFFFC000  }
0x79: {  	[hbm4b:s26+s2] =	stream.linear.scatter [tilespmem:s11], [sflag:$0x6], $0x4000, $0x38;
	[tilespmem:$0xC400] =	vst v63  }
0x7a: {  	_ =	swait.ge [sflag:s16], $0x4000  }
0x7b: {  	[sflag:s16] =	ssyncset.done $0x0  }
0x7c: {  	[sflag:s16] =	ssyncadd.s32 $0xFFFFC000  }
0x7d: {  	[tilespmem:s8], [sflag:$0x2] =	stream.indirect.gather [hbm4b:s25+s6], $0x80, s19, s6, $0xb8;
	[tilespmem:$0xC400] =	vst v63  }
0x7e: {  	_ =	swait.ge [sflag:s9], $0x4000  }
0x7f: {  	s0 =	sadd.s32 $0x1043600, s28;
	[sflag:s9] =	ssyncset.done $0x0  }
0x80: {  	s28 =	sadd.s32 s0, s1;
	[sflag:s9] =	ssyncadd.s32 $0xFFFFC000  }
0x81: {  	[hbm4b:s28+s2] =	stream.linear.scatter [tilespmem:s7], [sflag:$0x4], $0x4000, $0x38;
	[tilespmem:$0xC400] =	vst v63  }
0x82: {  	_ =	swait.ge [sflag:s18], $0x4000  }
0x83: {  	[sflag:s18] =	ssyncset.done $0x0  }
0x84: {  	[sflag:s18] =	ssyncadd.s32 $0xFFFFC000  }
0x85: {  	[tilespmem:s11], [sflag:$0x3] =	stream.indirect.gather [hbm4b:s25+s6], $0x80, s20, s6, $0xb8;
	[tilespmem:$0xC400] =	vst v63  }
0x86: {  	_ =	swait.ge [sflag:s12], $0x4000  }
0x87: {  	[sflag:s12] =	ssyncset.done $0x0  }
0x88: {  	s29 =	sadd.s32 s0, s29;
	[sflag:s12] =	ssyncadd.s32 $0xFFFFC000  }
0x89: {  	[hbm4b:s29+s2] =	stream.linear.scatter [tilespmem:s8], [sflag:$0x5], $0x4000, $0x38;
	[tilespmem:$0xC400] =	vst v63  }
0x8a: {  	_ =	swait.ge [sflag:s13], $0x4000  }
0x8b: {  	[sflag:s13] =	ssyncset.done $0x0  }
0x8c: {  	[sflag:s13] =	ssyncadd.s32 $0xFFFFC000  }
0x8d: {  	[tilespmem:s7], [sflag:$0x1] =	stream.indirect.gather [hbm4b:s25+s6], $0x80, s21, s6, $0xb8;
	[tilespmem:$0xC400] =	vst v63  }
0x8e: {  	_ =	swait.ge [sflag:s15], $0x4000  }
0x8f: {  	[sflag:s15] =	ssyncset.done $0x0  }
0x90: {  	s30 =	sadd.s32 s0, s30;
	[sflag:s15] =	ssyncadd.s32 $0xFFFFC000  }
0x91: {  	[hbm4b:s30+s2] =	stream.linear.scatter [tilespmem:s11], [sflag:$0x6], $0x4000, $0x38;
	[tilespmem:$0xC400] =	vst v63  }
0x92: {  	_ =	swait.ge [sflag:s9], $0x4000  }
0x93: {  	[sflag:s9] =	ssyncset.done $0x0;
	s1 =	rddreg [dreg:$0xe]  }
0x94: {  	s31 =	sadd.s32 s0, s31;
	s0 =	ssub.s32 $0x2, s1;
	[sflag:s9] =	ssyncadd.s32 $0xFFFFC000  }
0x95: {  	[hbm4b:s31+s2] =	stream.linear.scatter [tilespmem:s7], [sflag:$0x4], $0x4000, $0x38;
	[tilespmem:$0xC400] =	vst v63  }
0x96: {  	s1 =	sshrl.u32 s0, $0x1  }
0x97: {  	s0 =	ssub.s32 s0, s1  }
0x98: {  	s0 =	smax.u32 s0, $0x1  }
0x99: {  	p0 =	sne.s32 s0, $0x1  }
.Ltmp0:
0x9a: {  	_ =	swait.ge [sflag:s18], $0x4000;
	(pc) =	sbr.rel @!p0 .LBB2_2-.Ltmp0, $4  }
0x9b: {  	[sflag:s18] =	ssyncset.done $0x0  }
0x9c: {  	[sflag:s18] =	ssyncadd.s32 $0xFFFFC000  }
0x9d: {  	_ =	swait.ge [sflag:s13], $0x4000  }
0x9e: {  	s0 =	sadd.s32 $0xFFFFFFFF, s0;
	[sflag:s13] =	ssyncset.done $0x0  }
.LBB2_1:
0x9f: {  	s1 =	rddreg [dreg:$0x3];
	[sflag:s13] =	ssyncadd.s32 $0xFFFFC000  }
0xa0: {  	[tilespmem:s2], [sflag:$0x7] =	stream.linear.gather [hbm4b:s1+s2], $0x200, $0x38;
	[tilespmem:$0xC400] =	vst v63  }
0xa1: {  	_ =	swait.ge [sflag:s3], $0x200  }
0xa2: {  	[sflag:s3] =	ssyncset.done $0x0  }
0xa3: {  	s1 =	rddreg [dreg:$0x4];
	[sflag:s3] =	ssyncadd.s32 $0xFFFFFE00  }
0xa4: {  	[tilespmem:s4], [sflag:$0x7] =	stream.linear.gather [hbm4b:s1+s2], $0x200, $0x38;
	[tilespmem:$0xC400] =	vst v63  }
0xa5: {  	_ =	swait.ge [sflag:s3], $0x200  }
0xa6: {  	[sflag:s3] =	ssyncset.done $0x0  }
0xa7: {  	[sflag:s3] =	ssyncadd.s32 $0xFFFFFE00  }
0xa8: {  	[tilespmem:s7], [sflag:$0x1] =	stream.indirect.gather [hbm4b:s5+s6], $0x80, s2, s6, $0xb8;
	[tilespmem:$0xC400] =	vst v63  }
0xa9: {  	_ = 	snop  }
0xaa: {  	[tilespmem:s8], [sflag:$0x2] =	stream.indirect.gather [hbm4b:s5+s6], $0x80, s6, s6, $0xb8;
	[tilespmem:$0xC400] =	vst v63  }
0xab: {  	_ =	swait.ge [sflag:s9], $0x4000  }
0xac: {  	[sflag:s9] =	ssyncset.done $0x0  }
0xad: {  	s1 =	rddreg [dreg:$0x5];
	[sflag:s9] =	ssyncadd.s32 $0xFFFFC000  }
0xae: {  	[hbm4b:s1+s2] =	stream.linear.scatter [tilespmem:s7], [sflag:$0x4], $0x4000, $0x38;
	[tilespmem:$0xC400] =	vst v63  }
0xaf: {  	_ = 	snop  }
0xb0: {  	[tilespmem:s11], [sflag:$0x3] =	stream.indirect.gather [hbm4b:s5+s6], $0x80, s10, s6, $0xb8;
	[tilespmem:$0xC400] =	vst v63  }
0xb1: {  	_ =	swait.ge [sflag:s12], $0x4000  }
0xb2: {  	[sflag:s12] =	ssyncset.done $0x0  }
0xb3: {  	s1 =	rddreg [dreg:$0x6];
	[sflag:s12] =	ssyncadd.s32 $0xFFFFC000  }
0xb4: {  	[hbm4b:s1+s2] =	stream.linear.scatter [tilespmem:s8], [sflag:$0x5], $0x4000, $0x38;
	[tilespmem:$0xC400] =	vst v63  }
0xb5: {  	_ =	swait.ge [sflag:s13], $0x4000  }
0xb6: {  	[sflag:s13] =	ssyncset.done $0x0  }
0xb7: {  	[sflag:s13] =	ssyncadd.s32 $0xFFFFC000  }
0xb8: {  	[tilespmem:s7], [sflag:$0x1] =	stream.indirect.gather [hbm4b:s5+s6], $0x80, s14, s6, $0xb8;
	[tilespmem:$0xC400] =	vst v63  }
0xb9: {  	_ =	swait.ge [sflag:s15], $0x4000  }
0xba: {  	[sflag:s15] =	ssyncset.done $0x0  }
0xbb: {  	s1 =	rddreg [dreg:$0x7];
	[sflag:s15] =	ssyncadd.s32 $0xFFFFC000  }
0xbc: {  	[hbm4b:s1+s2] =	stream.linear.scatter [tilespmem:s11], [sflag:$0x6], $0x4000, $0x38;
	[tilespmem:$0xC400] =	vst v63  }
0xbd: {  	_ =	swait.ge [sflag:s16], $0x4000  }
0xbe: {  	[sflag:s16] =	ssyncset.done $0x0  }
0xbf: {  	[sflag:s16] =	ssyncadd.s32 $0xFFFFC000  }
0xc0: {  	[tilespmem:s8], [sflag:$0x2] =	stream.indirect.gather [hbm4b:s17+s6], $0x80, s4, s6, $0xb8;
	[tilespmem:$0xC400] =	vst v63  }
0xc1: {  	_ =	swait.ge [sflag:s9], $0x4000  }
0xc2: {  	[sflag:s9] =	ssyncset.done $0x0  }
0xc3: {  	s1 =	rddreg [dreg:$0x8];
	[sflag:s9] =	ssyncadd.s32 $0xFFFFC000  }
0xc4: {  	[hbm4b:s1+s2] =	stream.linear.scatter [tilespmem:s7], [sflag:$0x4], $0x4000, $0x38;
	[tilespmem:$0xC400] =	vst v63  }
0xc5: {  	_ =	swait.ge [sflag:s18], $0x4000  }
0xc6: {  	[sflag:s18] =	ssyncset.done $0x0  }
0xc7: {  	[sflag:s18] =	ssyncadd.s32 $0xFFFFC000  }
0xc8: {  	[tilespmem:s11], [sflag:$0x3] =	stream.indirect.gather [hbm4b:s17+s6], $0x80, s19, s6, $0xb8;
	[tilespmem:$0xC400] =	vst v63  }
0xc9: {  	_ =	swait.ge [sflag:s12], $0x4000  }
0xca: {  	[sflag:s12] =	ssyncset.done $0x0  }
0xcb: {  	s1 =	rddreg [dreg:$0x9];
	[sflag:s12] =	ssyncadd.s32 $0xFFFFC000  }
0xcc: {  	[hbm4b:s1+s2] =	stream.linear.scatter [tilespmem:s8], [sflag:$0x5], $0x4000, $0x38;
	[tilespmem:$0xC400] =	vst v63  }
0xcd: {  	_ =	swait.ge [sflag:s13], $0x4000  }
0xce: {  	[sflag:s13] =	ssyncset.done $0x0  }
0xcf: {  	[sflag:s13] =	ssyncadd.s32 $0xFFFFC000  }
0xd0: {  	[tilespmem:s7], [sflag:$0x1] =	stream.indirect.gather [hbm4b:s17+s6], $0x80, s20, s6, $0xb8;
	[tilespmem:$0xC400] =	vst v63  }
0xd1: {  	_ =	swait.ge [sflag:s15], $0x4000  }
0xd2: {  	[sflag:s15] =	ssyncset.done $0x0  }
0xd3: {  	s1 =	rddreg [dreg:$0xa];
	[sflag:s15] =	ssyncadd.s32 $0xFFFFC000  }
0xd4: {  	[hbm4b:s1+s2] =	stream.linear.scatter [tilespmem:s11], [sflag:$0x6], $0x4000, $0x38;
	[tilespmem:$0xC400] =	vst v63  }
0xd5: {  	_ =	swait.ge [sflag:s16], $0x4000  }
0xd6: {  	[sflag:s16] =	ssyncset.done $0x0  }
0xd7: {  	[sflag:s16] =	ssyncadd.s32 $0xFFFFC000  }
0xd8: {  	[tilespmem:s8], [sflag:$0x2] =	stream.indirect.gather [hbm4b:s17+s6], $0x80, s21, s6, $0xb8;
	[tilespmem:$0xC400] =	vst v63  }
0xd9: {  	_ =	swait.ge [sflag:s9], $0x4000  }
0xda: {  	[sflag:s9] =	ssyncset.done $0x0  }
0xdb: {  	s1 =	rddreg [dreg:$0xb];
	[sflag:s9] =	ssyncadd.s32 $0xFFFFC000  }
0xdc: {  	[hbm4b:s1+s2] =	stream.linear.scatter [tilespmem:s7], [sflag:$0x4], $0x4000, $0x38;
	[tilespmem:$0xC400] =	vst v63  }
0xdd: {  	_ =	swait.ge [sflag:s18], $0x4000  }
0xde: {  	[sflag:s18] =	ssyncset.done $0x0  }
0xdf: {  	[sflag:s18] =	ssyncadd.s32 $0xFFFFC000  }
0xe0: {  	[tilespmem:s11], [sflag:$0x3] =	stream.indirect.gather [hbm4b:s22+s6], $0x80, s2, s6, $0xb8;
	[tilespmem:$0xC400] =	vst v63  }
0xe1: {  	_ =	swait.ge [sflag:s12], $0x4000  }
0xe2: {  	[sflag:s12] =	ssyncset.done $0x0  }
0xe3: {  	s1 =	rddreg [dreg:$0xc];
	[sflag:s12] =	ssyncadd.s32 $0xFFFFC000  }
0xe4: {  	[hbm4b:s1+s2] =	stream.linear.scatter [tilespmem:s8], [sflag:$0x5], $0x4000, $0x38;
	[tilespmem:$0xC400] =	vst v63  }
0xe5: {  	_ =	swait.ge [sflag:s13], $0x4000  }
0xe6: {  	[sflag:s13] =	ssyncset.done $0x0  }
0xe7: {  	[sflag:s13] =	ssyncadd.s32 $0xFFFFC000  }
0xe8: {  	[tilespmem:s7], [sflag:$0x1] =	stream.indirect.gather [hbm4b:s22+s6], $0x80, s6, s6, $0xb8;
	[tilespmem:$0xC400] =	vst v63  }
0xe9: {  	_ =	swait.ge [sflag:s15], $0x4000  }
0xea: {  	[sflag:s15] =	ssyncset.done $0x0  }
0xeb: {  	s1 =	rddreg [dreg:$0xd];
	[sflag:s15] =	ssyncadd.s32 $0xFFFFC000  }
0xec: {  	[hbm4b:s1+s2] =	stream.linear.scatter [tilespmem:s11], [sflag:$0x6], $0x4000, $0x38;
	[tilespmem:$0xC400] =	vst v63  }
0xed: {  	_ =	swait.ge [sflag:s16], $0x4000  }
0xee: {  	[sflag:s16] =	ssyncset.done $0x0  }
0xef: {  	[sflag:s16] =	ssyncadd.s32 $0xFFFFC000  }
0xf0: {  	[tilespmem:s8], [sflag:$0x2] =	stream.indirect.gather [hbm4b:s22+s6], $0x80, s10, s6, $0xb8;
	[tilespmem:$0xC400] =	vst v63  }
0xf1: {  	_ =	swait.ge [sflag:s9], $0x4000  }
0xf2: {  	[sflag:s9] =	ssyncset.done $0x0  }
0xf3: {  	[sflag:s9] =	ssyncadd.s32 $0xFFFFC000  }
0xf4: {  	[hbm4b:s23+s2] =	stream.linear.scatter [tilespmem:s7], [sflag:$0x4], $0x4000, $0x38;
	[tilespmem:$0xC400] =	vst v63  }
0xf5: {  	_ =	swait.ge [sflag:s18], $0x4000  }
0xf6: {  	[sflag:s18] =	ssyncset.done $0x0  }
0xf7: {  	[sflag:s18] =	ssyncadd.s32 $0xFFFFC000  }
0xf8: {  	[tilespmem:s11], [sflag:$0x3] =	stream.indirect.gather [hbm4b:s22+s6], $0x80, s14, s6, $0xb8;
	[tilespmem:$0xC400] =	vst v63  }
0xf9: {  	_ =	swait.ge [sflag:s12], $0x4000  }
0xfa: {  	[sflag:s12] =	ssyncset.done $0x0  }
0xfb: {  	[sflag:s12] =	ssyncadd.s32 $0xFFFFC000  }
0xfc: {  	[hbm4b:s24+s2] =	stream.linear.scatter [tilespmem:s8], [sflag:$0x5], $0x4000, $0x38;
	[tilespmem:$0xC400] =	vst v63  }
0xfd: {  	_ =	swait.ge [sflag:s13], $0x4000  }
0xfe: {  	[sflag:s13] =	ssyncset.done $0x0  }
0xff: {  	[sflag:s13] =	ssyncadd.s32 $0xFFFFC000  }
0x100: {  	[tilespmem:s7], [sflag:$0x1] =	stream.indirect.gather [hbm4b:s25+s6], $0x80, s4, s6, $0xb8;
	[tilespmem:$0xC400] =	vst v63  }
0x101: {  	_ =	swait.ge [sflag:s15], $0x4000  }
0x102: {  	[sflag:s15] =	ssyncset.done $0x0  }
0x103: {  	[sflag:s15] =	ssyncadd.s32 $0xFFFFC000  }
0x104: {  	[hbm4b:s26+s2] =	stream.linear.scatter [tilespmem:s11], [sflag:$0x6], $0x4000, $0x38;
	[tilespmem:$0xC400] =	vst v63  }
0x105: {  	_ =	swait.ge [sflag:s16], $0x4000  }
0x106: {  	[sflag:s16] =	ssyncset.done $0x0  }
0x107: {  	[sflag:s16] =	ssyncadd.s32 $0xFFFFC000  }
0x108: {  	[tilespmem:s8], [sflag:$0x2] =	stream.indirect.gather [hbm4b:s25+s6], $0x80, s19, s6, $0xb8;
	[tilespmem:$0xC400] =	vst v63  }
0x109: {  	_ =	swait.ge [sflag:s9], $0x4000  }
0x10a: {  	[sflag:s9] =	ssyncset.done $0x0  }
0x10b: {  	[sflag:s9] =	ssyncadd.s32 $0xFFFFC000  }
0x10c: {  	[hbm4b:s28+s2] =	stream.linear.scatter [tilespmem:s7], [sflag:$0x4], $0x4000, $0x38;
	[tilespmem:$0xC400] =	vst v63  }
0x10d: {  	_ =	swait.ge [sflag:s18], $0x4000  }
0x10e: {  	[sflag:s18] =	ssyncset.done $0x0  }
0x10f: {  	[sflag:s18] =	ssyncadd.s32 $0xFFFFC000  }
0x110: {  	[tilespmem:s11], [sflag:$0x3] =	stream.indirect.gather [hbm4b:s25+s6], $0x80, s20, s6, $0xb8;
	[tilespmem:$0xC400] =	vst v63  }
0x111: {  	_ =	swait.ge [sflag:s12], $0x4000  }
0x112: {  	[sflag:s12] =	ssyncset.done $0x0  }
0x113: {  	[sflag:s12] =	ssyncadd.s32 $0xFFFFC000  }
0x114: {  	[hbm4b:s29+s2] =	stream.linear.scatter [tilespmem:s8], [sflag:$0x5], $0x4000, $0x38;
	[tilespmem:$0xC400] =	vst v63  }
0x115: {  	_ =	swait.ge [sflag:s13], $0x4000  }
0x116: {  	[sflag:s13] =	ssyncset.done $0x0  }
0x117: {  	[sflag:s13] =	ssyncadd.s32 $0xFFFFC000  }
0x118: {  	[tilespmem:s7], [sflag:$0x1] =	stream.indirect.gather [hbm4b:s25+s6], $0x80, s21, s6, $0xb8;
	[tilespmem:$0xC400] =	vst v63  }
0x119: {  	_ =	swait.ge [sflag:s15], $0x4000  }
0x11a: {  	[sflag:s15] =	ssyncset.done $0x0  }
0x11b: {  	[sflag:s15] =	ssyncadd.s32 $0xFFFFC000  }
0x11c: {  	[hbm4b:s30+s2] =	stream.linear.scatter [tilespmem:s11], [sflag:$0x6], $0x4000, $0x38;
	[tilespmem:$0xC400] =	vst v63  }
0x11d: {  	_ =	swait.ge [sflag:s9], $0x4000  }
0x11e: {  	[sflag:s9] =	ssyncset.done $0x0  }
0x11f: {  	p0 =	sne.s32 s0, $0x1;
	[sflag:s9] =	ssyncadd.s32 $0xFFFFC000  }
0x120: {  	[hbm4b:s31+s2] =	stream.linear.scatter [tilespmem:s7], [sflag:$0x4], $0x4000, $0x38;
	[tilespmem:$0xC400] =	vst v63  }
.Ltmp1:
0x121: {  	_ =	swait.ge [sflag:s18], $0x4000;
	(pc) =	sbr.rel @p0 .LBB2_1-.Ltmp1, $4  }
0x122: {  	[sflag:s18] =	ssyncset.done $0x0  }
0x123: {  	[sflag:s18] =	ssyncadd.s32 $0xFFFFC000  }
0x124: {  	_ =	swait.ge [sflag:s13], $0x4000  }
0x125: {  	s0 =	sadd.s32 $0xFFFFFFFF, s0;
	[sflag:s13] =	ssyncset.done $0x0  }
.LBB2_2:
0x126: {  	[sflag:s13] =	ssyncadd.s32 $0xFFFFC000  }
0x127: {  	_ =	sfence.sel $0x180000  }
0x128: {  	[bflag:$0x0] =	sbarrier.arrive $0xFFFF  }
0x129: {  	_ =	strace $0x90000047  }
0x12a: {  	s0 =	stileid.u32;
	[bflag:$0x2] =	sbarrier.arrive $0xFFFF  }
0x12b: {  	p0 =	sne.s32 s0, $0x0;
	s0 =	rddreg [dreg:$0x2]  }
0x12c: {  	s0 =	sadd.s32 @!p0 $0x100000, s0  }
0x12d: {  	[sflag:s0] =	ssyncadd.tile.s32 @!p0 $0x1;
	_ =	shalt  }
.Lfunc_end2:
_tile_overlayer_lowered:
.L_overlay_start_2:
0x12e: {  	(tag) =	ssettag $0x2  }
0x12f: {  	s0 =	rddreg [dreg:$0x0];
	s2 =	stileid.u32  }
0x130: {  	s1 =	rddreg [dreg:$0x1];
	p0 =	sne.s32 s2, $0x0  }
0x131: {  	s3 =	rddreg [dreg:$0x2];
	[bflag:$0x3] =	sbarrier.arrive $0xFFFF;
	s2 =	simm.s32 @!p0 $0x1C07  }
0x132: {  	[timem:s3], [sflag:s2] =	dma.local @!p0 [hbm:s0], s1  }
0x133: {  	s0 =	simm.s32 @!p0 $0x7  }
0x134: {  	_ =	swait.ge @!p0 [sflag:s0], s1  }
0x135: {  	s1 =	ssub.s32 @!p0 $0x0, s1;
	[sflag:s0] =	ssyncset.done @!p0 $0x0  }
0x136: {  	[sflag:s0] =	ssyncadd.s32 @!p0 s1  }
0x137: {  	[bflag:$0x3] =	sbarrier.arrive $0xFFFF  }
0x138: {  	_ =	shalt  }

</sc_bundles>
